<compile_context>
chip_gen: v7x
topology: tpu7x:2x2x1
jax: 0.10.2.dev20260603
libtpu: 0.0.44.dev20260713+nightly
codegen_flags: <defaults>
</compile_context>

<pallas_src>
import functools

import jax
import jax.numpy as jnp
from jax import lax
from jax.experimental import pallas as pl
from jax.experimental.pallas import tpu as pltpu
from jax.experimental.pallas import tpu_sc as plsc

BATCH = 2
SEQ = 2048
D_MODEL = 1024
N_HEADS = 16
HEAD_DIM = 64
N_HASHES = 2
N_BUCKETS = 64

NI = BATCH * N_HEADS
SROWS = N_HASHES * SEQ
CHUNK = 32
NCHUNK = SROWS // CHUNK
NBKT = N_HASHES * N_BUCKETS

_f32 = jnp.float32
_i32 = jnp.int32


def _rotation_matrix():
    rot = jax.random.normal(jax.random.PRNGKey(0),
                            (HEAD_DIM, N_HASHES, N_BUCKETS // 2)).astype(_f32)
    r0 = rot[:, 0, :]
    r1 = rot[:, 1, :]
    return jnp.concatenate([r0, -r0, r1, -r1], axis=1)



def _proj_body(xq, xkv, wq, bq, wv, bv, qvo):
    q = jnp.dot(xq[0], wq[0], preferred_element_type=_f32) + bq[0]
    v = jnp.dot(xkv[0], wv[0], preferred_element_type=_f32) + bv[0]
    qvo[0, 0] = jnp.concatenate([q, v], axis=1)


def _project(inputs_q, inputs_kv, W_query, b_query, W_value, b_value):
    TB = 512
    grid = (BATCH, SEQ // TB, N_HEADS)
    wq = jnp.transpose(W_query, (1, 0, 2))
    wv = jnp.transpose(W_value, (1, 0, 2))
    return pl.pallas_call(
        _proj_body,
        grid=grid,
        in_specs=[
            pl.BlockSpec((1, TB, D_MODEL), lambda b, t, h: (b, t, 0)),
            pl.BlockSpec((1, TB, D_MODEL), lambda b, t, h: (b, t, 0)),
            pl.BlockSpec((1, D_MODEL, HEAD_DIM), lambda b, t, h: (h, 0, 0)),
            pl.BlockSpec((1, 1, HEAD_DIM), lambda b, t, h: (h, 0, 0)),
            pl.BlockSpec((1, D_MODEL, HEAD_DIM), lambda b, t, h: (h, 0, 0)),
            pl.BlockSpec((1, 1, HEAD_DIM), lambda b, t, h: (h, 0, 0)),
        ],
        out_specs=pl.BlockSpec((1, 1, TB, 2 * HEAD_DIM), lambda b, t, h: (b, h, t, 0)),
        out_shape=jax.ShapeDtypeStruct((BATCH, N_HEADS, SEQ, 2 * HEAD_DIM), _f32),
    )(inputs_q, inputs_kv, wq, b_query.reshape(N_HEADS, 1, HEAD_DIM),
      wv, b_value.reshape(N_HEADS, 1, HEAD_DIM))



def _argmax_first(c, width):
    mx = jnp.max(c, axis=1, keepdims=True)
    ii = lax.broadcasted_iota(_i32, c.shape, 1)
    hit = jnp.where(c == mx, ii, width)
    return jnp.min(hit, axis=1, keepdims=True)


def _hashsort_body(qr, rr, sgo):
    inst = pl.program_id(0)
    q = qr[0][:, :HEAD_DIM]
    m = jnp.dot(q, rr[...], preferred_element_type=_f32)
    b0 = _argmax_first(m[:, :64], 64)
    b1 = _argmax_first(m[:, 64:], 64) + 64
    bkt = jnp.concatenate([b0, b1], axis=0)

    lanes = lax.broadcasted_iota(_i32, (SROWS, NBKT), 1)
    oh = (bkt == lanes).astype(_f32)

    G = 128
    NG = SROWS // G
    ar = lax.broadcasted_iota(_i32, (NG, SROWS), 0)
    ac = lax.broadcasted_iota(_i32, (NG, SROWS), 1) // G
    ind = (ar == ac).astype(_f32)
    T = jnp.dot(ind, oh, preferred_element_type=_f32)
    gr = lax.broadcasted_iota(_i32, (NG, NG), 0)
    gc = lax.broadcasted_iota(_i32, (NG, NG), 1)
    ltri_g = (gc < gr).astype(_f32)
    Gcum = jnp.dot(ltri_g, T, preferred_element_type=_f32)
    hist = Gcum[NG - 1:NG] + T[NG - 1:NG]
    ur = lax.broadcasted_iota(_i32, (NBKT, NBKT), 0)
    uc = lax.broadcasted_iota(_i32, (NBKT, NBKT), 1)
    upper = (ur < uc).astype(_f32)
    off = jnp.dot(hist, upper, preferred_element_type=_f32)
    base = off + Gcum

    lr = lax.broadcasted_iota(_i32, (G, G), 0)
    lc = lax.broadcasted_iota(_i32, (G, G), 1)
    ltri = (lc < lr).astype(_f32)
    s_parts = []
    for g in range(NG):
        oh_g = oh[g * G:(g + 1) * G]
        P_g = jnp.dot(ltri, oh_g, preferred_element_type=_f32)
        val = base[g:g + 1] + P_g
        s_parts.append(jnp.sum(oh_g * val, axis=1, keepdims=True))
    s = jnp.concatenate(s_parts, axis=0)
    sgo[0] = s.astype(_i32) + inst * SROWS


def _hashsort(qv_all, r128):
    return pl.pallas_call(
        _hashsort_body,
        grid=(NI,),
        in_specs=[
            pl.BlockSpec((1, SEQ, 2 * HEAD_DIM), lambda w: (w, 0, 0)),
            pl.BlockSpec((HEAD_DIM, NBKT), lambda w: (0, 0)),
        ],
        out_specs=pl.BlockSpec((1, SROWS, 1), lambda w: (w, 0, 0)),
        out_shape=jax.ShapeDtypeStruct((NI, SROWS, 1), _i32),
    )(qv_all, r128)



def _sc_mesh():
    return plsc.VectorSubcoreMesh(core_axis_name="c", subcore_axis_name="s",
                                  num_cores=2, num_subcores=16)


_RPC = 128
_NCH = SROWS // _RPC


def _sc_scatter_body(qvf, sg2, sqv_o, idx_v, rows, sem):
    wid = lax.axis_index("s") * 2 + lax.axis_index("c")
    pltpu.sync_copy(sg2.at[pl.ds(wid * _NCH, _NCH)], idx_v)

    def body(j, carry):
        base = wid * SEQ + lax.rem(j, _i32(SEQ // _RPC)) * _RPC
        pltpu.sync_copy(qvf.at[pl.ds(base, _RPC)], rows)
        pltpu.async_copy(rows, sqv_o.at[idx_v.at[j]], sem).wait()
        return carry

    lax.fori_loop(0, _NCH, body, 0)


def _sc_scatter(qvf, sg2):
    run = pl.kernel(
        _sc_scatter_body,
        out_type=jax.ShapeDtypeStruct((NI * SROWS, 2 * HEAD_DIM), _f32),
        mesh=_sc_mesh(),
        scratch_types=[
            pltpu.VMEM((_NCH, _RPC), _i32),
            pltpu.VMEM((_RPC, 2 * HEAD_DIM), _f32),
            pltpu.SemaphoreType.DMA,
        ],
    )
    return run(qvf, sg2)



def _attn_body(qm, qh, xo):
    main = qm[0]
    ext = jnp.concatenate([qh[0], main], axis=0)
    q = main[:, :HEAD_DIM]
    k = ext[:, :HEAD_DIM]
    v = ext[:, HEAD_DIM:]
    dots = lax.dot_general(q, k, (((1,), (1,)), ((), ())),
                           preferred_element_type=_f32) * (float(HEAD_DIM) ** 0.5)
    TB = q.shape[0]
    KB = TB + CHUNK
    ql = lax.broadcasted_iota(_i32, (TB, KB), 0) // CHUNK
    kl = lax.broadcasted_iota(_i32, (TB, KB), 1) // CHUNK - 1
    allow = (kl == ql) | (kl == ql - 1)
    d = jnp.where(allow, dots, _f32(-1e30))
    mx = jnp.max(d, axis=1, keepdims=True)
    ex = jnp.exp(d - mx)
    sm = jnp.sum(ex, axis=1, keepdims=True)
    lse = mx + jnp.log(sm)
    p = ex / sm
    x = jnp.dot(p, v, preferred_element_type=_f32)
    xo[0] = jnp.concatenate(
        [x, jnp.broadcast_to(lse, (TB, HEAD_DIM))], axis=1)


def _attention(sqv):
    TB = 512
    CPB = TB // CHUNK
    grid = (NI, SROWS // TB)
    halo = lambda w, i: (w, (i * CPB + (NCHUNK - 1)) % NCHUNK, 0)
    return pl.pallas_call(
        _attn_body,
        grid=grid,
        in_specs=[
            pl.BlockSpec((1, TB, 2 * HEAD_DIM), lambda w, i: (w, i, 0)),
            pl.BlockSpec((1, CHUNK, 2 * HEAD_DIM), halo),
        ],
        out_specs=pl.BlockSpec((1, TB, 2 * HEAD_DIM), lambda w, i: (w, i, 0)),
        out_shape=jax.ShapeDtypeStruct((NI, SROWS, 2 * HEAD_DIM), _f32),
    )(sqv, sqv)



def _sc_gather_body(xlf, sg2, og_o, idx_v, rows, sem):
    wid = lax.axis_index("s") * 2 + lax.axis_index("c")
    pltpu.sync_copy(sg2.at[pl.ds(wid * _NCH, _NCH)], idx_v)

    def body(j, carry):
        pltpu.async_copy(xlf.at[idx_v.at[j]], rows, sem).wait()
        pltpu.sync_copy(rows, og_o.at[pl.ds(wid * SROWS + j * _RPC, _RPC)])
        return carry

    lax.fori_loop(0, _NCH, body, 0)


def _sc_gather(xlf, sg2):
    run = pl.kernel(
        _sc_gather_body,
        out_type=jax.ShapeDtypeStruct((NI * SROWS, 2 * HEAD_DIM), _f32),
        mesh=_sc_mesh(),
        scratch_types=[
            pltpu.VMEM((_NCH, _RPC), _i32),
            pltpu.VMEM((_RPC, 2 * HEAD_DIM), _f32),
            pltpu.SemaphoreType.DMA,
        ],
    )
    return run(xlf, sg2)



def _comb_body(o0r, o1r, wr, br, outr):
    acc = jnp.broadcast_to(br[...], outr.shape[1:])
    for h in range(N_HEADS):
        o0 = o0r[0, h]
        o1 = o1r[0, h]
        x0 = o0[:, :HEAD_DIM]
        l0 = o0[:, HEAD_DIM:HEAD_DIM + 1]
        x1 = o1[:, :HEAD_DIM]
        l1 = o1[:, HEAD_DIM:HEAD_DIM + 1]
        m = jnp.maximum(l0, l1)
        w0 = jnp.exp(l0 - m)
        w1 = jnp.exp(l1 - m)
        comb = (x0 * w0 + x1 * w1) / (w0 + w1)
        acc = acc + jnp.dot(comb, wr[h], preferred_element_type=_f32)
    outr[0] = acc


def _combine_project(og, W_out, b_out):
    TB = 256
    NT = SEQ // TB
    grid = (BATCH, NT)
    og4 = og.reshape(BATCH, N_HEADS, SROWS, 2 * HEAD_DIM)
    return pl.pallas_call(
        _comb_body,
        grid=grid,
        in_specs=[
            pl.BlockSpec((1, N_HEADS, TB, 2 * HEAD_DIM), lambda b, t: (b, 0, t, 0)),
            pl.BlockSpec((1, N_HEADS, TB, 2 * HEAD_DIM), lambda b, t: (b, 0, t + NT, 0)),
            pl.BlockSpec((N_HEADS, HEAD_DIM, D_MODEL), lambda b, t: (0, 0, 0)),
            pl.BlockSpec((1, D_MODEL), lambda b, t: (0, 0)),
        ],
        out_specs=pl.BlockSpec((1, TB, D_MODEL), lambda b, t: (b, t, 0)),
        out_shape=jax.ShapeDtypeStruct((BATCH, SEQ, D_MODEL), _f32),
    )(og4, og4, W_out, b_out.reshape(1, D_MODEL))


def kernel(inputs_q, inputs_kv, W_query, b_query, W_value, b_value, W_out, b_out):
    r128 = _rotation_matrix()
    qv4 = _project(inputs_q, inputs_kv, W_query, b_query, W_value, b_value)
    qv_all = qv4.reshape(NI, SEQ, 2 * HEAD_DIM)
    sg = _hashsort(qv_all, r128)
    sg2 = sg.reshape(NI * _NCH, _RPC)
    sqvf = _sc_scatter(qv_all.reshape(NI * SEQ, 2 * HEAD_DIM), sg2)
    xl = _attention(sqvf.reshape(NI, SROWS, 2 * HEAD_DIM))
    og = _sc_gather(xl.reshape(NI * SROWS, 2 * HEAD_DIM), sg2)
    return _combine_project(og.reshape(NI, SROWS, 2 * HEAD_DIM), W_out, b_out)

# --- scband reference (transcript-rebuilt; emitter-appended) ---
"""Pipeline reference for scband-reformer-attention-83141976917051 (READ-ONLY COPY).

The authoritative reference and input builder live on the scoring server;
editing this copy changes nothing except your own understanding.
"""

import jax, jax.numpy as jnp
import numpy as np
from jax.scipy.special import logsumexp

BATCH = 2
SEQ = 2048
D_MODEL = 1024
N_HEADS = 16
HEAD_DIM = 64
N_HASHES = 2
N_BUCKETS = 64


def hash_vectors(vecs, rng, num_buckets, num_hashes):
    assert num_buckets % 2 == 0
    rot_size = num_buckets
    rotations_shape = (vecs.shape[-1], num_hashes, rot_size // 2)
    random_rotations = jax.random.normal(rng, rotations_shape).astype(jnp.float32)
    rotated_vecs = jnp.einsum('tf,fhi->hti', vecs, random_rotations)
    rotated_vecs = jnp.concatenate([rotated_vecs, -rotated_vecs], axis=-1)
    buckets = jnp.argmax(rotated_vecs, axis=-1)
    offsets = jnp.reshape(jnp.arange(num_hashes) * num_buckets, (-1, 1))
    buckets = jnp.reshape(buckets + offsets, (-1,))
    return buckets


def look_one_back(x):
    xlb = jnp.concatenate([x[-1:, ...], x[:-1, ...]], axis=0)
    return jnp.concatenate([x, xlb], axis=1)


def lsh_attention_single_head(query, value, n_buckets, n_hashes):
    qdim, vdim = query.shape[-1], value.shape[-1]
    chunk_size = n_hashes * n_buckets
    seqlen = query.shape[0]
    rng = jax.random.PRNGKey(0)
    buckets = hash_vectors(query, rng, num_buckets=n_buckets, num_hashes=n_hashes)
    ticker = jnp.arange(n_hashes * seqlen)
    buckets_and_t = seqlen * buckets + ticker % seqlen
    buckets_and_t = jax.lax.stop_gradient(buckets_and_t)
    sbuckets_and_t, sticker = jax.lax.sort_key_val(buckets_and_t, ticker, dimension=-1)
    _, undo_sort = jax.lax.sort_key_val(sticker, ticker, dimension=-1)
    sticker = jax.lax.stop_gradient(sticker)
    undo_sort = jax.lax.stop_gradient(undo_sort)
    st = sticker % seqlen
    sqk = jnp.take(query, st, axis=0)
    sv = jnp.take(value, st, axis=0)
    bqk = jnp.reshape(sqk, (chunk_size, -1, qdim))
    bv = jnp.reshape(sv, (chunk_size, -1, vdim))
    bq = bqk
    bk = bqk
    bk = look_one_back(bk)
    bv = look_one_back(bv)
    dots = jnp.einsum('hie,hje->hij', bq, bk) * qdim ** 0.5
    dots_logsumexp = logsumexp(dots, axis=-1, keepdims=True)
    slogits = jnp.reshape(dots_logsumexp, [-1])
    dots = jnp.exp(dots - dots_logsumexp)
    x = jnp.matmul(dots, bv)
    x = jnp.reshape(x, [-1, qdim])
    # permute_via_gather: gather by undo_sort (bijective permutation; autodiff of
    # this gather equals the original custom vjp which gathers by sticker)
    o = jnp.take(x, undo_sort, axis=0)
    # permute_via_sort(slogits, sticker, undo_sort): sort_key_val by sticker keys
    # is exactly a gather by argsort(sticker) == undo_sort
    logits = jnp.take(slogits, undo_sort, axis=0)
    logits = jnp.reshape(logits, [n_hashes, seqlen, 1])
    probs = jnp.exp(logits - logsumexp(logits, axis=0, keepdims=True))
    o = jnp.reshape(o, [n_hashes, seqlen, qdim])
    out = jnp.sum(o * probs, axis=0)
    return jnp.reshape(out, [seqlen, qdim])


def lsh_attention_single_batch(query, value, n_buckets, n_hashes):
    attn = jax.vmap(lsh_attention_single_head, in_axes=(1, 1, None, None))
    return attn(query, value, n_buckets, n_hashes)  # [heads, seq, head_dim]


def setup_inputs(seed: int = 0) -> dict:
    key = jax.random.key(seed)
    ks = jax.random.split(key, 6)
    inputs_q = jax.random.normal(ks[0], (BATCH, SEQ, D_MODEL), dtype=jnp.float32)
    inputs_kv = jax.random.normal(ks[1], (BATCH, SEQ, D_MODEL), dtype=jnp.float32)
    W_query = jax.random.normal(ks[2], (D_MODEL, N_HEADS, HEAD_DIM), dtype=jnp.float32) / np.sqrt(D_MODEL)
    b_query = jnp.zeros((N_HEADS, HEAD_DIM), dtype=jnp.float32)
    W_value = jax.random.normal(ks[3], (D_MODEL, N_HEADS, HEAD_DIM), dtype=jnp.float32) / np.sqrt(D_MODEL)
    b_value = jnp.zeros((N_HEADS, HEAD_DIM), dtype=jnp.float32)
    W_out = jax.random.normal(ks[4], (N_HEADS, HEAD_DIM, D_MODEL), dtype=jnp.float32) / np.sqrt(N_HEADS * HEAD_DIM)
    b_out = jnp.zeros((D_MODEL,), dtype=jnp.float32)
    return {"inputs_q": inputs_q, "inputs_kv": inputs_kv, "W_query": W_query,
            "b_query": b_query, "W_value": W_value, "b_value": b_value,
            "W_out": W_out, "b_out": b_out}


def reference(inputs_q, inputs_kv, W_query, b_query, W_value, b_value, W_out, b_out):
    # shared-QK Reformer attention: project query and value only
    query = jnp.einsum('bld,dhk->blhk', inputs_q, W_query) + b_query
    value = jnp.einsum('bld,dhk->blhk', inputs_kv, W_value) + b_value
    attn = jax.vmap(lsh_attention_single_batch, in_axes=(0, 0, None, None))
    out = attn(query, value, N_BUCKETS, N_HASHES)  # [b, heads, seq, head_dim]
    out = jnp.transpose(out, (0, 2, 1, 3))  # [b, seq, heads, head_dim]
    out = jnp.einsum('blhk,hkd->bld', out, W_out) + b_out
    return out

if __name__ == "__main__":
    import jax
    _d = setup_inputs()
    print(jax.jit(kernel)(*tuple(_d.values())))

</pallas_src>

<mosaic_0001>
#map = affine_map<(d0, d1) -> (0, 0)>
module attributes {stable_mosaic.version = 14 : i64} {
  func.func @_sc_gather_body(%arg0: i32, %arg1: i32, %arg2: memref<131072x128xf32, #tpu.memory_space<hbm>>, %arg3: memref<1024x128xi32, #tpu.memory_space<hbm>>, %arg4: memref<131072x128xf32, #tpu.memory_space<hbm>>, %arg5: memref<32x128xi32, #tpu.memory_space<vmem>>, %arg6: memref<128x128xf32, #tpu.memory_space<vmem>>, %arg7: memref<!tpu.dma_semaphore, #tpu.memory_space<semaphore_mem>>) attributes {dimension_semantics = [#tpu.dimension_semantics<core_parallel>, #tpu.dimension_semantics<subcore_parallel>], iteration_bounds = array<i64: 2, 16>, scalar_prefetch = 0 : i64, scratch_operands = 3 : i64, tpu.core_type = #tpu.core_type<sc_vector_subcore>, window_params = [{transform_indices = #map}, {transform_indices = #map}, {transform_indices = #map}]} {
    %mul3A = arith.constant 2 : i32
    %mul3A_0 = arith.muli %arg1, %mul3A : i32
    %add3A = arith.addi %mul3A_0, %arg0 : i32
    %mul3A_1 = arith.constant 32 : i32
    %mul3A_2 = arith.muli %add3A, %mul3A_1 : i32
    "tpu.region"() ({
      %run_scoped3A = tpu.sem_alloc : memref<!tpu.dma_semaphore, #tpu.memory_space<semaphore_mem>>
      %dma_start3A = arith.constant 0 : i32
      %dma_start3A_8 = tpu.memref_slice %arg3[%mul3A_2, %dma_start3A] : memref<1024x128xi32, #tpu.memory_space<hbm>> -> memref<32x128xi32, #tpu.memory_space<hbm>>
      %dma_start3A_9 = arith.constant 0 : i32
      %dma_start3A_10 = tpu.memref_slice %arg3[%mul3A_2, %dma_start3A_9] : memref<1024x128xi32, #tpu.memory_space<hbm>> -> memref<32x128xi32, #tpu.memory_space<hbm>>
      tpu.enqueue_dma source(%dma_start3A_10 : memref<32x128xi32, #tpu.memory_space<hbm>>) target(%arg5 : memref<32x128xi32, #tpu.memory_space<vmem>>) target_semaphore(%run_scoped3A : memref<!tpu.dma_semaphore, #tpu.memory_space<semaphore_mem>>)
      %dma_wait3A = arith.constant 0 : i32
      %dma_wait3A_11 = tpu.memref_slice %arg3[%mul3A_2, %dma_wait3A] : memref<1024x128xi32, #tpu.memory_space<hbm>> -> memref<32x128xi32, #tpu.memory_space<hbm>>
      %dma_wait3A_12 = arith.constant 0 : i32
      %dma_wait3A_13 = tpu.memref_slice %arg3[%mul3A_2, %dma_wait3A_12] : memref<1024x128xi32, #tpu.memory_space<hbm>> -> memref<32x128xi32, #tpu.memory_space<hbm>>
      tpu.wait_dma2 semaphore(%run_scoped3A : memref<!tpu.dma_semaphore, #tpu.memory_space<semaphore_mem>>) src(%dma_wait3A_13 : memref<32x128xi32, #tpu.memory_space<hbm>>) dst(%arg5 : memref<32x128xi32, #tpu.memory_space<vmem>>)
      tpu.yield
    }) : () -> ()
    %scan3A = arith.constant 0 : i32
    %scan3A_3 = arith.constant 0 : i32
    %scan3A_4 = arith.constant 32 : i32
    %scan3A_5 = arith.addi %scan3A_3, %scan3A_4 : i32
    %scan3A_6 = arith.constant 1 : i32
    scf.for %scan3A_8 = %scan3A_3 to %scan3A_5 step %scan3A_6  : i32 {
      %dma_start3A = arith.constant 0 : i32
      %dma_start3A_9 = tpu.memref_slice %arg5[%scan3A_8, %dma_start3A] : memref<32x128xi32, #tpu.memory_space<vmem>> -> memref<1x128xi32, #tpu.memory_space<vmem>>
      %dma_start3A_10 = tpu.memref_squeeze %dma_start3A_9 : memref<1x128xi32, #tpu.memory_space<vmem>> -> memref<128xi32, #tpu.memory_space<vmem>>
      %dma_start3A_11 = arith.constant 0 : i32
      %dma_start3A_12 = arith.constant 0 : i32
      %dma_start3A_13 = tpu.memref_slice %arg2[%dma_start3A_11, %dma_start3A_12] : memref<131072x128xf32, #tpu.memory_space<hbm>> -> memref<131072x128xf32, #tpu.memory_space<hbm>>
      tpu.enqueue_indirect_dma source(%dma_start3A_13 : memref<131072x128xf32, #tpu.memory_space<hbm>>) target(%arg6 : memref<128x128xf32, #tpu.memory_space<vmem>>) offsets(%dma_start3A_10 : memref<128xi32, #tpu.memory_space<vmem>>) semaphore(%arg7 : memref<!tpu.dma_semaphore, #tpu.memory_space<semaphore_mem>>)
      %dma_wait3A = arith.constant 0 : i32
      %dma_wait3A_14 = tpu.memref_slice %arg5[%scan3A_8, %dma_wait3A] : memref<32x128xi32, #tpu.memory_space<vmem>> -> memref<1x128xi32, #tpu.memory_space<vmem>>
      %dma_wait3A_15 = tpu.memref_squeeze %dma_wait3A_14 : memref<1x128xi32, #tpu.memory_space<vmem>> -> memref<128xi32, #tpu.memory_space<vmem>>
      %dma_wait3A_16 = arith.constant 0 : i32
      %dma_wait3A_17 = arith.constant 0 : i32
      %dma_wait3A_18 = tpu.memref_slice %arg2[%dma_wait3A_16, %dma_wait3A_17] : memref<131072x128xf32, #tpu.memory_space<hbm>> -> memref<131072x128xf32, #tpu.memory_space<hbm>>
      tpu.wait_indirect_dma semaphore(%arg7 : memref<!tpu.dma_semaphore, #tpu.memory_space<semaphore_mem>>) src(%dma_wait3A_18 : memref<131072x128xf32, #tpu.memory_space<hbm>>) dst(%arg6 : memref<128x128xf32, #tpu.memory_space<vmem>>)
      %mul3A_19 = arith.constant 4096 : i32
      %mul3A_20 = arith.muli %add3A, %mul3A_19 : i32
      %mul3A_21 = arith.constant 128 : i32
      %mul3A_22 = arith.muli %scan3A_8, %mul3A_21 : i32
      %add3A_23 = arith.addi %mul3A_20, %mul3A_22 : i32
      "tpu.region"() ({
        %run_scoped3A = tpu.sem_alloc : memref<!tpu.dma_semaphore, #tpu.memory_space<semaphore_mem>>
        %dma_start3A_24 = arith.constant 0 : i32
        %dma_start3A_25 = tpu.memref_slice %arg4[%add3A_23, %dma_start3A_24] : memref<131072x128xf32, #tpu.memory_space<hbm>> -> memref<128x128xf32, #tpu.memory_space<hbm>>
        %dma_start3A_26 = arith.constant 0 : i32
        %dma_start3A_27 = tpu.memref_slice %arg4[%add3A_23, %dma_start3A_26] : memref<131072x128xf32, #tpu.memory_space<hbm>> -> memref<128x128xf32, #tpu.memory_space<hbm>>
        tpu.enqueue_dma source(%arg6 : memref<128x128xf32, #tpu.memory_space<vmem>>) target(%dma_start3A_27 : memref<128x128xf32, #tpu.memory_space<hbm>>) target_semaphore(%run_scoped3A : memref<!tpu.dma_semaphore, #tpu.memory_space<semaphore_mem>>)
        %dma_wait3A_28 = arith.constant 0 : i32
        %dma_wait3A_29 = tpu.memref_slice %arg4[%add3A_23, %dma_wait3A_28] : memref<131072x128xf32, #tpu.memory_space<hbm>> -> memref<128x128xf32, #tpu.memory_space<hbm>>
        %dma_wait3A_30 = arith.constant 0 : i32
        %dma_wait3A_31 = tpu.memref_slice %arg4[%add3A_23, %dma_wait3A_30] : memref<131072x128xf32, #tpu.memory_space<hbm>> -> memref<128x128xf32, #tpu.memory_space<hbm>>
        tpu.wait_dma2 semaphore(%run_scoped3A : memref<!tpu.dma_semaphore, #tpu.memory_space<semaphore_mem>>) src(%arg6 : memref<128x128xf32, #tpu.memory_space<vmem>>) dst(%dma_wait3A_31 : memref<128x128xf32, #tpu.memory_space<hbm>>)
        tpu.yield
      }) : () -> ()
    }
    %scan3A_7 = arith.constant 32 : i32
    return
  }
}

#map = affine_map<(d0, d1) -> (0, 0)>
module attributes {stable_mosaic.version = 14 : i64} {
  func.func @_sc_scatter_body(%arg0: i32, %arg1: i32, %arg2: memref<65536x128xf32, #tpu.memory_space<hbm>>, %arg3: memref<1024x128xi32, #tpu.memory_space<hbm>>, %arg4: memref<131072x128xf32, #tpu.memory_space<hbm>>, %arg5: memref<32x128xi32, #tpu.memory_space<vmem>>, %arg6: memref<128x128xf32, #tpu.memory_space<vmem>>, %arg7: memref<!tpu.dma_semaphore, #tpu.memory_space<semaphore_mem>>) attributes {dimension_semantics = [#tpu.dimension_semantics<core_parallel>, #tpu.dimension_semantics<subcore_parallel>], iteration_bounds = array<i64: 2, 16>, scalar_prefetch = 0 : i64, scratch_operands = 3 : i64, tpu.core_type = #tpu.core_type<sc_vector_subcore>, window_params = [{transform_indices = #map}, {transform_indices = #map}, {transform_indices = #map}]} {
    %mul3A = arith.constant 2 : i32
    %mul3A_0 = arith.muli %arg1, %mul3A : i32
    %add3A = arith.addi %mul3A_0, %arg0 : i32
    %mul3A_1 = arith.constant 32 : i32
    %mul3A_2 = arith.muli %add3A, %mul3A_1 : i32
    "tpu.region"() ({
      %run_scoped3A = tpu.sem_alloc : memref<!tpu.dma_semaphore, #tpu.memory_space<semaphore_mem>>
      %dma_start3A = arith.constant 0 : i32
      %dma_start3A_8 = tpu.memref_slice %arg3[%mul3A_2, %dma_start3A] : memref<1024x128xi32, #tpu.memory_space<hbm>> -> memref<32x128xi32, #tpu.memory_space<hbm>>
      %dma_start3A_9 = arith.constant 0 : i32
      %dma_start3A_10 = tpu.memref_slice %arg3[%mul3A_2, %dma_start3A_9] : memref<1024x128xi32, #tpu.memory_space<hbm>> -> memref<32x128xi32, #tpu.memory_space<hbm>>
      tpu.enqueue_dma source(%dma_start3A_10 : memref<32x128xi32, #tpu.memory_space<hbm>>) target(%arg5 : memref<32x128xi32, #tpu.memory_space<vmem>>) target_semaphore(%run_scoped3A : memref<!tpu.dma_semaphore, #tpu.memory_space<semaphore_mem>>)
      %dma_wait3A = arith.constant 0 : i32
      %dma_wait3A_11 = tpu.memref_slice %arg3[%mul3A_2, %dma_wait3A] : memref<1024x128xi32, #tpu.memory_space<hbm>> -> memref<32x128xi32, #tpu.memory_space<hbm>>
      %dma_wait3A_12 = arith.constant 0 : i32
      %dma_wait3A_13 = tpu.memref_slice %arg3[%mul3A_2, %dma_wait3A_12] : memref<1024x128xi32, #tpu.memory_space<hbm>> -> memref<32x128xi32, #tpu.memory_space<hbm>>
      tpu.wait_dma2 semaphore(%run_scoped3A : memref<!tpu.dma_semaphore, #tpu.memory_space<semaphore_mem>>) src(%dma_wait3A_13 : memref<32x128xi32, #tpu.memory_space<hbm>>) dst(%arg5 : memref<32x128xi32, #tpu.memory_space<vmem>>)
      tpu.yield
    }) : () -> ()
    %scan3A = arith.constant 0 : i32
    %scan3A_3 = arith.constant 0 : i32
    %scan3A_4 = arith.constant 32 : i32
    %scan3A_5 = arith.addi %scan3A_3, %scan3A_4 : i32
    %scan3A_6 = arith.constant 1 : i32
    scf.for %scan3A_8 = %scan3A_3 to %scan3A_5 step %scan3A_6  : i32 {
      %mul3A_9 = arith.constant 2048 : i32
      %mul3A_10 = arith.muli %add3A, %mul3A_9 : i32
      %rem3A = arith.constant 16 : i32
      %rem3A_11 = arith.remsi %scan3A_8, %rem3A : i32
      %mul3A_12 = arith.constant 128 : i32
      %mul3A_13 = arith.muli %rem3A_11, %mul3A_12 : i32
      %add3A_14 = arith.addi %mul3A_10, %mul3A_13 : i32
      "tpu.region"() ({
        %run_scoped3A = tpu.sem_alloc : memref<!tpu.dma_semaphore, #tpu.memory_space<semaphore_mem>>
        %dma_start3A_25 = arith.constant 0 : i32
        %dma_start3A_26 = tpu.memref_slice %arg2[%add3A_14, %dma_start3A_25] : memref<65536x128xf32, #tpu.memory_space<hbm>> -> memref<128x128xf32, #tpu.memory_space<hbm>>
        %dma_start3A_27 = arith.constant 0 : i32
        %dma_start3A_28 = tpu.memref_slice %arg2[%add3A_14, %dma_start3A_27] : memref<65536x128xf32, #tpu.memory_space<hbm>> -> memref<128x128xf32, #tpu.memory_space<hbm>>
        tpu.enqueue_dma source(%dma_start3A_28 : memref<128x128xf32, #tpu.memory_space<hbm>>) target(%arg6 : memref<128x128xf32, #tpu.memory_space<vmem>>) target_semaphore(%run_scoped3A : memref<!tpu.dma_semaphore, #tpu.memory_space<semaphore_mem>>)
        %dma_wait3A_29 = arith.constant 0 : i32
        %dma_wait3A_30 = tpu.memref_slice %arg2[%add3A_14, %dma_wait3A_29] : memref<65536x128xf32, #tpu.memory_space<hbm>> -> memref<128x128xf32, #tpu.memory_space<hbm>>
        %dma_wait3A_31 = arith.constant 0 : i32
        %dma_wait3A_32 = tpu.memref_slice %arg2[%add3A_14, %dma_wait3A_31] : memref<65536x128xf32, #tpu.memory_space<hbm>> -> memref<128x128xf32, #tpu.memory_space<hbm>>
        tpu.wait_dma2 semaphore(%run_scoped3A : memref<!tpu.dma_semaphore, #tpu.memory_space<semaphore_mem>>) src(%dma_wait3A_32 : memref<128x128xf32, #tpu.memory_space<hbm>>) dst(%arg6 : memref<128x128xf32, #tpu.memory_space<vmem>>)
        tpu.yield
      }) : () -> ()
      %dma_start3A = arith.constant 0 : i32
      %dma_start3A_15 = tpu.memref_slice %arg5[%scan3A_8, %dma_start3A] : memref<32x128xi32, #tpu.memory_space<vmem>> -> memref<1x128xi32, #tpu.memory_space<vmem>>
      %dma_start3A_16 = tpu.memref_squeeze %dma_start3A_15 : memref<1x128xi32, #tpu.memory_space<vmem>> -> memref<128xi32, #tpu.memory_space<vmem>>
      %dma_start3A_17 = arith.constant 0 : i32
      %dma_start3A_18 = arith.constant 0 : i32
      %dma_start3A_19 = tpu.memref_slice %arg4[%dma_start3A_17, %dma_start3A_18] : memref<131072x128xf32, #tpu.memory_space<hbm>> -> memref<131072x128xf32, #tpu.memory_space<hbm>>
      tpu.enqueue_indirect_dma source(%arg6 : memref<128x128xf32, #tpu.memory_space<vmem>>) target(%dma_start3A_19 : memref<131072x128xf32, #tpu.memory_space<hbm>>) offsets(%dma_start3A_16 : memref<128xi32, #tpu.memory_space<vmem>>) semaphore(%arg7 : memref<!tpu.dma_semaphore, #tpu.memory_space<semaphore_mem>>)
      %dma_wait3A = arith.constant 0 : i32
      %dma_wait3A_20 = tpu.memref_slice %arg5[%scan3A_8, %dma_wait3A] : memref<32x128xi32, #tpu.memory_space<vmem>> -> memref<1x128xi32, #tpu.memory_space<vmem>>
      %dma_wait3A_21 = tpu.memref_squeeze %dma_wait3A_20 : memref<1x128xi32, #tpu.memory_space<vmem>> -> memref<128xi32, #tpu.memory_space<vmem>>
      %dma_wait3A_22 = arith.constant 0 : i32
      %dma_wait3A_23 = arith.constant 0 : i32
      %dma_wait3A_24 = tpu.memref_slice %arg4[%dma_wait3A_22, %dma_wait3A_23] : memref<131072x128xf32, #tpu.memory_space<hbm>> -> memref<131072x128xf32, #tpu.memory_space<hbm>>
      tpu.wait_indirect_dma semaphore(%arg7 : memref<!tpu.dma_semaphore, #tpu.memory_space<semaphore_mem>>) src(%arg6 : memref<128x128xf32, #tpu.memory_space<vmem>>) dst(%dma_wait3A_24 : memref<131072x128xf32, #tpu.memory_space<hbm>>)
    }
    %scan3A_7 = arith.constant 32 : i32
    return
  }
}

module attributes {stable_mosaic.version = 14 : i64} {
  func.func @_proj_body(%arg0: i32, %arg1: i32, %arg2: i32, %arg3: memref<1x512x1024xf32, #tpu.memory_space<vmem>>, %arg4: memref<1x512x1024xf32, #tpu.memory_space<vmem>>, %arg5: memref<1x1024x64xf32, #tpu.memory_space<vmem>>, %arg6: memref<1x1x64xf32, #tpu.memory_space<vmem>>, %arg7: memref<1x1024x64xf32, #tpu.memory_space<vmem>>, %arg8: memref<1x1x64xf32, #tpu.memory_space<vmem>>, %arg9: memref<1x1x512x128xf32, #tpu.memory_space<vmem>>) attributes {dimension_semantics = [#tpu.dimension_semantics<arbitrary>, #tpu.dimension_semantics<arbitrary>, #tpu.dimension_semantics<arbitrary>], iteration_bounds = array<i64: 2, 4, 16>, scalar_prefetch = 0 : i64, scratch_operands = 0 : i64, tpu.core_type = #tpu.core_type<tc>, window_params = [{transform_indices = @transform_0, window_bounds = array<i64: 1, 512, 1024>}, {transform_indices = @transform_1, window_bounds = array<i64: 1, 512, 1024>}, {transform_indices = @transform_2, window_bounds = array<i64: 1, 1024, 64>}, {transform_indices = @transform_3, window_bounds = array<i64: 1, 1, 64>}, {transform_indices = @transform_4, window_bounds = array<i64: 1, 1024, 64>}, {transform_indices = @transform_5, window_bounds = array<i64: 1, 1, 64>}, {transform_indices = @transform_6, window_bounds = array<i64: 1, 1, 512, 128>}]} {
    %get3A = arith.constant 0 : index
    %get3A_0 = arith.constant 0 : index
    %get3A_1 = arith.constant 0 : index
    %get3A_2 = vector.load %arg3[%get3A, %get3A_0, %get3A_1] : memref<1x512x1024xf32, #tpu.memory_space<vmem>>, vector<1x512x1024xf32>
    %get3A_3 = vector.shape_cast %get3A_2 : vector<1x512x1024xf32> to vector<512x1024xf32>
    %get3A_4 = arith.constant 0 : index
    %get3A_5 = arith.constant 0 : index
    %get3A_6 = arith.constant 0 : index
    %get3A_7 = vector.load %arg5[%get3A_4, %get3A_5, %get3A_6] : memref<1x1024x64xf32, #tpu.memory_space<vmem>>, vector<1x1024x64xf32>
    %get3A_8 = vector.shape_cast %get3A_7 : vector<1x1024x64xf32> to vector<1024x64xf32>
    %dot_general3A = arith.constant dense<0.000000e+00> : vector<512x64xf32>
    %dot_general3A_9 = tpu.matmul %get3A_3, %get3A_8, %dot_general3A {dimension_numbers = #tpu.dot_dimension_numbers<[1], [0], [0], [1], [0, 0, 1, 1], [], []>, transpose_lhs_hint = false} : vector<512x1024xf32>, vector<1024x64xf32>, vector<512x64xf32> -> vector<512x64xf32>
    %get3A_10 = arith.constant 0 : index
    %get3A_11 = arith.constant 0 : index
    %get3A_12 = arith.constant 0 : index
    %get3A_13 = vector.load %arg6[%get3A_10, %get3A_11, %get3A_12] : memref<1x1x64xf32, #tpu.memory_space<vmem>>, vector<1x1x64xf32>
    %get3A_14 = vector.shape_cast %get3A_13 : vector<1x1x64xf32> to vector<1x64xf32>
    %add3A = vector.broadcast %get3A_14 : vector<1x64xf32> to vector<512x64xf32>
    %add3A_15 = arith.addf %dot_general3A_9, %add3A : vector<512x64xf32>
    %get3A_16 = arith.constant 0 : index
    %get3A_17 = arith.constant 0 : index
    %get3A_18 = arith.constant 0 : index
    %get3A_19 = vector.load %arg4[%get3A_16, %get3A_17, %get3A_18] : memref<1x512x1024xf32, #tpu.memory_space<vmem>>, vector<1x512x1024xf32>
    %get3A_20 = vector.shape_cast %get3A_19 : vector<1x512x1024xf32> to vector<512x1024xf32>
    %get3A_21 = arith.constant 0 : index
    %get3A_22 = arith.constant 0 : index
    %get3A_23 = arith.constant 0 : index
    %get3A_24 = vector.load %arg7[%get3A_21, %get3A_22, %get3A_23] : memref<1x1024x64xf32, #tpu.memory_space<vmem>>, vector<1x1024x64xf32>
    %get3A_25 = vector.shape_cast %get3A_24 : vector<1x1024x64xf32> to vector<1024x64xf32>
    %dot_general3A_26 = arith.constant dense<0.000000e+00> : vector<512x64xf32>
    %dot_general3A_27 = tpu.matmul %get3A_20, %get3A_25, %dot_general3A_26 {dimension_numbers = #tpu.dot_dimension_numbers<[1], [0], [0], [1], [0, 0, 1, 1], [], []>, transpose_lhs_hint = false} : vector<512x1024xf32>, vector<1024x64xf32>, vector<512x64xf32> -> vector<512x64xf32>
    %get3A_28 = arith.constant 0 : index
    %get3A_29 = arith.constant 0 : index
    %get3A_30 = arith.constant 0 : index
    %get3A_31 = vector.load %arg8[%get3A_28, %get3A_29, %get3A_30] : memref<1x1x64xf32, #tpu.memory_space<vmem>>, vector<1x1x64xf32>
    %get3A_32 = vector.shape_cast %get3A_31 : vector<1x1x64xf32> to vector<1x64xf32>
    %add3A_33 = vector.broadcast %get3A_32 : vector<1x64xf32> to vector<512x64xf32>
    %add3A_34 = arith.addf %dot_general3A_27, %add3A_33 : vector<512x64xf32>
    %concatenate3A = tpu.concatenate %add3A_15, %add3A_34 in 1 : vector<512x64xf32>, vector<512x64xf32> -> vector<512x128xf32>
    %swap3A = arith.constant 0 : index
    %swap3A_35 = arith.constant 0 : index
    %swap3A_36 = arith.constant 0 : index
    %swap3A_37 = arith.constant 0 : index
    %swap3A_38 = vector.load %arg9[%swap3A, %swap3A_35, %swap3A_36, %swap3A_37] : memref<1x1x512x128xf32, #tpu.memory_space<vmem>>, vector<1x1x512x128xf32>
    %swap3A_39 = vector.shape_cast %swap3A_38 : vector<1x1x512x128xf32> to vector<512x128xf32>
    %swap3A_40 = vector.shape_cast %concatenate3A : vector<512x128xf32> to vector<1x1x512x128xf32>
    tpu.vector_store %arg9[%swap3A, %swap3A_35, %swap3A_36, %swap3A_37], %swap3A_40 {strides = array<i32>} : memref<1x1x512x128xf32, #tpu.memory_space<vmem>>, vector<1x1x512x128xf32>,
    return
  }
  func.func @transform_0(%arg0: i32, %arg1: i32, %arg2: i32) -> (i32, i32, i32) {
    %c0_i32 = arith.constant 0 : i32
    %c0_i32_0 = arith.constant 0 : i32
    return %arg0, %arg1, %c0_i32 : i32, i32, i32
  }
  func.func @transform_1(%arg0: i32, %arg1: i32, %arg2: i32) -> (i32, i32, i32) {
    %c0_i32 = arith.constant 0 : i32
    %c0_i32_0 = arith.constant 0 : i32
    return %arg0, %arg1, %c0_i32 : i32, i32, i32
  }
  func.func @transform_2(%arg0: i32, %arg1: i32, %arg2: i32) -> (i32, i32, i32) {
    %c0_i32 = arith.constant 0 : i32
    %c0_i32_0 = arith.constant 0 : i32
    %c0_i32_1 = arith.constant 0 : i32
    return %arg2, %c0_i32, %c0_i32_0 : i32, i32, i32
  }
  func.func @transform_3(%arg0: i32, %arg1: i32, %arg2: i32) -> (i32, i32, i32) {
    %c0_i32 = arith.constant 0 : i32
    %c0_i32_0 = arith.constant 0 : i32
    %c0_i32_1 = arith.constant 0 : i32
    return %arg2, %c0_i32, %c0_i32_0 : i32, i32, i32
  }
  func.func @transform_4(%arg0: i32, %arg1: i32, %arg2: i32) -> (i32, i32, i32) {
    %c0_i32 = arith.constant 0 : i32
    %c0_i32_0 = arith.constant 0 : i32
    %c0_i32_1 = arith.constant 0 : i32
    return %arg2, %c0_i32, %c0_i32_0 : i32, i32, i32
  }
  func.func @transform_5(%arg0: i32, %arg1: i32, %arg2: i32) -> (i32, i32, i32) {
    %c0_i32 = arith.constant 0 : i32
    %c0_i32_0 = arith.constant 0 : i32
    %c0_i32_1 = arith.constant 0 : i32
    return %arg2, %c0_i32, %c0_i32_0 : i32, i32, i32
  }
  func.func @transform_6(%arg0: i32, %arg1: i32, %arg2: i32) -> (i32, i32, i32, i32) {
    %c0_i32 = arith.constant 0 : i32
    %c0_i32_0 = arith.constant 0 : i32
    return %arg0, %arg2, %arg1, %c0_i32 : i32, i32, i32, i32
  }
}

module attributes {stable_mosaic.version = 14 : i64} {
  func.func @_hashsort_body(%arg0: i32, %arg1: memref<1x2048x128xf32, #tpu.memory_space<vmem>>, %arg2: memref<64x128xf32, #tpu.memory_space<vmem>>, %arg3: memref<1x4096x1xi32, #tpu.memory_space<vmem>>) attributes {dimension_semantics = [#tpu.dimension_semantics<arbitrary>], iteration_bounds = array<i64: 32>, scalar_prefetch = 0 : i64, scratch_operands = 0 : i64, tpu.core_type = #tpu.core_type<tc>, window_params = [{transform_indices = @transform_0, window_bounds = array<i64: 1, 2048, 128>}, {pipeline_mode = #tpu.pipeline_mode<synchronous>, transform_indices = @transform_1, window_bounds = array<i64: 64, 128>}, {transform_indices = @transform_2, window_bounds = array<i64: 1, 4096, 1>}]} {
    %get3A = arith.constant 0 : index
    %get3A_0 = arith.constant 0 : index
    %get3A_1 = arith.constant 0 : index
    %get3A_2 = vector.load %arg1[%get3A, %get3A_0, %get3A_1] : memref<1x2048x128xf32, #tpu.memory_space<vmem>>, vector<1x2048x128xf32>
    %get3A_3 = vector.shape_cast %get3A_2 : vector<1x2048x128xf32> to vector<2048x128xf32>
    %slice3A = vector.extract_strided_slice %get3A_3 {offsets = [0, 0], sizes = [2048, 64], strides = [1, 1]} : vector<2048x128xf32> to vector<2048x64xf32>
    %get3A_4 = arith.constant 0 : index
    %get3A_5 = arith.constant 0 : index
    %get3A_6 = vector.load %arg2[%get3A_4, %get3A_5] : memref<64x128xf32, #tpu.memory_space<vmem>>, vector<64x128xf32>
    %dot_general3A = arith.constant dense<0.000000e+00> : vector<2048x128xf32>
    %dot_general3A_7 = tpu.matmul %slice3A, %get3A_6, %dot_general3A {dimension_numbers = #tpu.dot_dimension_numbers<[1], [0], [0], [1], [0, 0, 1, 1], [], []>, transpose_lhs_hint = false} : vector<2048x64xf32>, vector<64x128xf32>, vector<2048x128xf32> -> vector<2048x128xf32>
    %slice3A_8 = vector.extract_strided_slice %dot_general3A_7 {offsets = [0, 0], sizes = [2048, 64], strides = [1, 1]} : vector<2048x128xf32> to vector<2048x64xf32>
    %reduce_max3A = arith.constant dense<0xFF800000> : vector<2048xf32>
    %reduce_max3A_9 = vector.multi_reduction <maximumf>, %slice3A_8, %reduce_max3A [1] : vector<2048x64xf32> to vector<2048xf32>
    %broadcast_in_dim3A = vector.shape_cast %reduce_max3A_9 : vector<2048xf32> to vector<2048x1xf32>
    %iota3A = tpu.iota {dimensions = array<i32: 1>} : vector<2048x64xi32>
    %eq3A = vector.broadcast %broadcast_in_dim3A : vector<2048x1xf32> to vector<2048x64xf32>
    %eq3A_10 = arith.cmpf oeq, %slice3A_8, %eq3A : vector<2048x64xf32>
    %jit3A = arith.constant 64 : i32
    %broadcast_in_dim3A_11 = vector.broadcast %jit3A : i32 to vector<2048x64xi32>
    %select_n3A = arith.select %eq3A_10, %iota3A, %broadcast_in_dim3A_11 : vector<2048x64xi1>, vector<2048x64xi32>
    %reduce_min3A = arith.constant dense<2147483647> : vector<2048xi32>
    %reduce_min3A_12 = vector.multi_reduction <minsi>, %select_n3A, %reduce_min3A [1] : vector<2048x64xi32> to vector<2048xi32>
    %broadcast_in_dim3A_13 = vector.shape_cast %reduce_min3A_12 : vector<2048xi32> to vector<2048x1xi32>
    %slice3A_14 = vector.extract_strided_slice %dot_general3A_7 {offsets = [0, 64], sizes = [2048, 64], strides = [1, 1]} : vector<2048x128xf32> to vector<2048x64xf32>
    %reduce_max3A_15 = arith.constant dense<0xFF800000> : vector<2048xf32>
    %reduce_max3A_16 = vector.multi_reduction <maximumf>, %slice3A_14, %reduce_max3A_15 [1] : vector<2048x64xf32> to vector<2048xf32>
    %broadcast_in_dim3A_17 = vector.shape_cast %reduce_max3A_16 : vector<2048xf32> to vector<2048x1xf32>
    %iota3A_18 = tpu.iota {dimensions = array<i32: 1>} : vector<2048x64xi32>
    %eq3A_19 = vector.broadcast %broadcast_in_dim3A_17 : vector<2048x1xf32> to vector<2048x64xf32>
    %eq3A_20 = arith.cmpf oeq, %slice3A_14, %eq3A_19 : vector<2048x64xf32>
    %jit3A_21 = arith.constant 64 : i32
    %broadcast_in_dim3A_22 = vector.broadcast %jit3A_21 : i32 to vector<2048x64xi32>
    %select_n3A_23 = arith.select %eq3A_20, %iota3A_18, %broadcast_in_dim3A_22 : vector<2048x64xi1>, vector<2048x64xi32>
    %reduce_min3A_24 = arith.constant dense<2147483647> : vector<2048xi32>
    %reduce_min3A_25 = vector.multi_reduction <minsi>, %select_n3A_23, %reduce_min3A_24 [1] : vector<2048x64xi32> to vector<2048xi32>
    %broadcast_in_dim3A_26 = vector.shape_cast %reduce_min3A_25 : vector<2048xi32> to vector<2048x1xi32>
    %add3A = arith.constant 64 : i32
    %add3A_27 = vector.broadcast %add3A : i32 to vector<2048x1xi32>
    %add3A_28 = arith.addi %broadcast_in_dim3A_26, %add3A_27 : vector<2048x1xi32>
    %concatenate3A = tpu.concatenate %broadcast_in_dim3A_13, %add3A_28 in 0 : vector<2048x1xi32>, vector<2048x1xi32> -> vector<4096x1xi32>
    %iota3A_29 = tpu.iota {dimensions = array<i32: 1>} : vector<4096x128xi32>
    %eq3A_30 = vector.broadcast %concatenate3A : vector<4096x1xi32> to vector<4096x128xi32>
    %eq3A_31 = arith.cmpi eq, %eq3A_30, %iota3A_29 : vector<4096x128xi32>
    %convert_element_type3A = arith.extui %eq3A_31 : vector<4096x128xi1> to vector<4096x128xi32>
    %convert_element_type3A_32 = arith.sitofp %convert_element_type3A : vector<4096x128xi32> to vector<4096x128xf32>
    %iota3A_33 = tpu.iota {dimensions = array<i32: 0>} : vector<32x4096xi32>
    %iota3A_34 = tpu.iota {dimensions = array<i32: 1>} : vector<32x4096xi32>
    %jit3A_35 = arith.constant 128 : i32
    %div3A = vector.broadcast %jit3A_35 : i32 to vector<32x4096xi32>
    %div3A_36 = arith.divsi %iota3A_34, %div3A : vector<32x4096xi32>
    %sign3A = arith.constant 0 : i32
    %sign3A_37 = vector.broadcast %sign3A : i32 to vector<32x4096xi32>
    %sign3A_38 = arith.cmpi sgt, %iota3A_34, %sign3A_37 : vector<32x4096xi32>
    %sign3A_39 = arith.extui %sign3A_38 : vector<32x4096xi1> to vector<32x4096xi32>
    %sign3A_40 = arith.constant 0 : i32
    %sign3A_41 = vector.broadcast %sign3A_40 : i32 to vector<32x4096xi32>
    %sign3A_42 = arith.cmpi slt, %iota3A_34, %sign3A_41 : vector<32x4096xi32>
    %sign3A_43 = arith.extui %sign3A_42 : vector<32x4096xi1> to vector<32x4096xi32>
    %sign3A_44 = arith.subi %sign3A_39, %sign3A_43 : vector<32x4096xi32>
    %sign3A_45 = arith.constant 0 : i32
    %sign3A_46 = arith.cmpi sgt, %jit3A_35, %sign3A_45 : i32
    %sign3A_47 = arith.extui %sign3A_46 : i1 to i32
    %sign3A_48 = arith.constant 0 : i32
    %sign3A_49 = arith.cmpi slt, %jit3A_35, %sign3A_48 : i32
    %sign3A_50 = arith.extui %sign3A_49 : i1 to i32
    %sign3A_51 = arith.subi %sign3A_47, %sign3A_50 : i32
    %ne3A = vector.broadcast %sign3A_51 : i32 to vector<32x4096xi32>
    %ne3A_52 = arith.cmpi ne, %sign3A_44, %ne3A : vector<32x4096xi32>
    %rem3A = vector.broadcast %jit3A_35 : i32 to vector<32x4096xi32>
    %rem3A_53 = arith.remsi %iota3A_34, %rem3A : vector<32x4096xi32>
    %ne3A_54 = arith.constant 0 : i32
    %ne3A_55 = vector.broadcast %ne3A_54 : i32 to vector<32x4096xi32>
    %ne3A_56 = arith.cmpi ne, %rem3A_53, %ne3A_55 : vector<32x4096xi32>
    %and3A = arith.andi %ne3A_52, %ne3A_56 : vector<32x4096xi1>
    %sub3A = arith.constant 1 : i32
    %sub3A_57 = vector.broadcast %sub3A : i32 to vector<32x4096xi32>
    %sub3A_58 = arith.subi %div3A_36, %sub3A_57 : vector<32x4096xi32>
    %select_n3A_59 = arith.select %and3A, %sub3A_58, %div3A_36 : vector<32x4096xi1>, vector<32x4096xi32>
    %eq3A_60 = arith.cmpi eq, %iota3A_33, %select_n3A_59 : vector<32x4096xi32>
    %convert_element_type3A_61 = arith.extui %eq3A_60 : vector<32x4096xi1> to vector<32x4096xi32>
    %convert_element_type3A_62 = arith.sitofp %convert_element_type3A_61 : vector<32x4096xi32> to vector<32x4096xf32>
    %dot_general3A_63 = arith.constant dense<0.000000e+00> : vector<32x128xf32>
    %dot_general3A_64 = tpu.matmul %convert_element_type3A_62, %convert_element_type3A_32, %dot_general3A_63 {dimension_numbers = #tpu.dot_dimension_numbers<[1], [0], [0], [1], [0, 0, 1, 1], [], []>, transpose_lhs_hint = false} : vector<32x4096xf32>, vector<4096x128xf32>, vector<32x128xf32> -> vector<32x128xf32>
    %iota3A_65 = tpu.iota {dimensions = array<i32: 0>} : vector<32x32xi32>
    %iota3A_66 = tpu.iota {dimensions = array<i32: 1>} : vector<32x32xi32>
    %lt3A = arith.cmpi slt, %iota3A_66, %iota3A_65 : vector<32x32xi32>
    %convert_element_type3A_67 = arith.extui %lt3A : vector<32x32xi1> to vector<32x32xi32>
    %convert_element_type3A_68 = arith.sitofp %convert_element_type3A_67 : vector<32x32xi32> to vector<32x32xf32>
    %dot_general3A_69 = arith.constant dense<0.000000e+00> : vector<32x128xf32>
    %dot_general3A_70 = tpu.matmul %convert_element_type3A_68, %dot_general3A_64, %dot_general3A_69 {dimension_numbers = #tpu.dot_dimension_numbers<[1], [0], [0], [1], [0, 0, 1, 1], [], []>, transpose_lhs_hint = false} : vector<32x32xf32>, vector<32x128xf32>, vector<32x128xf32> -> vector<32x128xf32>
    %slice3A_71 = vector.extract_strided_slice %dot_general3A_70 {offsets = [31, 0], sizes = [1, 128], strides = [1, 1]} : vector<32x128xf32> to vector<1x128xf32>
    %slice3A_72 = vector.extract_strided_slice %dot_general3A_64 {offsets = [31, 0], sizes = [1, 128], strides = [1, 1]} : vector<32x128xf32> to vector<1x128xf32>
    %add3A_73 = arith.addf %slice3A_71, %slice3A_72 : vector<1x128xf32>
    %iota3A_74 = tpu.iota {dimensions = array<i32: 0>} : vector<128x128xi32>
    %iota3A_75 = tpu.iota {dimensions = array<i32: 1>} : vector<128x128xi32>
    %lt3A_76 = arith.cmpi slt, %iota3A_74, %iota3A_75 : vector<128x128xi32>
    %convert_element_type3A_77 = arith.extui %lt3A_76 : vector<128x128xi1> to vector<128x128xi32>
    %convert_element_type3A_78 = arith.sitofp %convert_element_type3A_77 : vector<128x128xi32> to vector<128x128xf32>
    %dot_general3A_79 = arith.constant dense<0.000000e+00> : vector<1x128xf32>
    %dot_general3A_80 = tpu.matmul %add3A_73, %convert_element_type3A_78, %dot_general3A_79 {dimension_numbers = #tpu.dot_dimension_numbers<[1], [0], [0], [1], [0, 0, 1, 1], [], []>, transpose_lhs_hint = false} : vector<1x128xf32>, vector<128x128xf32>, vector<1x128xf32> -> vector<1x128xf32>
    %add3A_81 = vector.broadcast %dot_general3A_80 : vector<1x128xf32> to vector<32x128xf32>
    %add3A_82 = arith.addf %add3A_81, %dot_general3A_70 : vector<32x128xf32>
    %iota3A_83 = tpu.iota {dimensions = array<i32: 0>} : vector<128x128xi32>
    %iota3A_84 = tpu.iota {dimensions = array<i32: 1>} : vector<128x128xi32>
    %lt3A_85 = arith.cmpi slt, %iota3A_84, %iota3A_83 : vector<128x128xi32>
    %convert_element_type3A_86 = arith.extui %lt3A_85 : vector<128x128xi1> to vector<128x128xi32>
    %convert_element_type3A_87 = arith.sitofp %convert_element_type3A_86 : vector<128x128xi32> to vector<128x128xf32>
    %slice3A_88 = vector.extract_strided_slice %convert_element_type3A_32 {offsets = [0, 0], sizes = [128, 128], strides = [1, 1]} : vector<4096x128xf32> to vector<128x128xf32>
    %dot_general3A_89 = arith.constant dense<0.000000e+00> : vector<128x128xf32>
    %dot_general3A_90 = tpu.matmul %convert_element_type3A_87, %slice3A_88, %dot_general3A_89 {dimension_numbers = #tpu.dot_dimension_numbers<[1], [0], [0], [1], [0, 0, 1, 1], [], []>, transpose_lhs_hint = false} : vector<128x128xf32>, vector<128x128xf32>, vector<128x128xf32> -> vector<128x128xf32>
    %slice3A_91 = vector.extract_strided_slice %add3A_82 {offsets = [0, 0], sizes = [1, 128], strides = [1, 1]} : vector<32x128xf32> to vector<1x128xf32>
    %add3A_92 = vector.broadcast %slice3A_91 : vector<1x128xf32> to vector<128x128xf32>
    %add3A_93 = arith.addf %add3A_92, %dot_general3A_90 : vector<128x128xf32>
    %mul3A = arith.mulf %slice3A_88, %add3A_93 : vector<128x128xf32>
    %reduce_sum3A = arith.constant dense<0.000000e+00> : vector<128xf32>
    %reduce_sum3A_94 = vector.multi_reduction <add>, %mul3A, %reduce_sum3A [1] : vector<128x128xf32> to vector<128xf32>
    %broadcast_in_dim3A_95 = vector.shape_cast %reduce_sum3A_94 : vector<128xf32> to vector<128x1xf32>
    %slice3A_96 = vector.extract_strided_slice %convert_element_type3A_32 {offsets = [128, 0], sizes = [128, 128], strides = [1, 1]} : vector<4096x128xf32> to vector<128x128xf32>
    %dot_general3A_97 = arith.constant dense<0.000000e+00> : vector<128x128xf32>
    %dot_general3A_98 = tpu.matmul %convert_element_type3A_87, %slice3A_96, %dot_general3A_97 {dimension_numbers = #tpu.dot_dimension_numbers<[1], [0], [0], [1], [0, 0, 1, 1], [], []>, transpose_lhs_hint = false} : vector<128x128xf32>, vector<128x128xf32>, vector<128x128xf32> -> vector<128x128xf32>
    %slice3A_99 = vector.extract_strided_slice %add3A_82 {offsets = [1, 0], sizes = [1, 128], strides = [1, 1]} : vector<32x128xf32> to vector<1x128xf32>
    %add3A_100 = vector.broadcast %slice3A_99 : vector<1x128xf32> to vector<128x128xf32>
    %add3A_101 = arith.addf %add3A_100, %dot_general3A_98 : vector<128x128xf32>
    %mul3A_102 = arith.mulf %slice3A_96, %add3A_101 : vector<128x128xf32>
    %reduce_sum3A_103 = arith.constant dense<0.000000e+00> : vector<128xf32>
    %reduce_sum3A_104 = vector.multi_reduction <add>, %mul3A_102, %reduce_sum3A_103 [1] : vector<128x128xf32> to vector<128xf32>
    %broadcast_in_dim3A_105 = vector.shape_cast %reduce_sum3A_104 : vector<128xf32> to vector<128x1xf32>
    %slice3A_106 = vector.extract_strided_slice %convert_element_type3A_32 {offsets = [256, 0], sizes = [128, 128], strides = [1, 1]} : vector<4096x128xf32> to vector<128x128xf32>
    %dot_general3A_107 = arith.constant dense<0.000000e+00> : vector<128x128xf32>
    %dot_general3A_108 = tpu.matmul %convert_element_type3A_87, %slice3A_106, %dot_general3A_107 {dimension_numbers = #tpu.dot_dimension_numbers<[1], [0], [0], [1], [0, 0, 1, 1], [], []>, transpose_lhs_hint = false} : vector<128x128xf32>, vector<128x128xf32>, vector<128x128xf32> -> vector<128x128xf32>
    %slice3A_109 = vector.extract_strided_slice %add3A_82 {offsets = [2, 0], sizes = [1, 128], strides = [1, 1]} : vector<32x128xf32> to vector<1x128xf32>
    %add3A_110 = vector.broadcast %slice3A_109 : vector<1x128xf32> to vector<128x128xf32>
    %add3A_111 = arith.addf %add3A_110, %dot_general3A_108 : vector<128x128xf32>
    %mul3A_112 = arith.mulf %slice3A_106, %add3A_111 : vector<128x128xf32>
    %reduce_sum3A_113 = arith.constant dense<0.000000e+00> : vector<128xf32>
    %reduce_sum3A_114 = vector.multi_reduction <add>, %mul3A_112, %reduce_sum3A_113 [1] : vector<128x128xf32> to vector<128xf32>
    %broadcast_in_dim3A_115 = vector.shape_cast %reduce_sum3A_114 : vector<128xf32> to vector<128x1xf32>
    %slice3A_116 = vector.extract_strided_slice %convert_element_type3A_32 {offsets = [384, 0], sizes = [128, 128], strides = [1, 1]} : vector<4096x128xf32> to vector<128x128xf32>
    %dot_general3A_117 = arith.constant dense<0.000000e+00> : vector<128x128xf32>
    %dot_general3A_118 = tpu.matmul %convert_element_type3A_87, %slice3A_116, %dot_general3A_117 {dimension_numbers = #tpu.dot_dimension_numbers<[1], [0], [0], [1], [0, 0, 1, 1], [], []>, transpose_lhs_hint = false} : vector<128x128xf32>, vector<128x128xf32>, vector<128x128xf32> -> vector<128x128xf32>
    %slice3A_119 = vector.extract_strided_slice %add3A_82 {offsets = [3, 0], sizes = [1, 128], strides = [1, 1]} : vector<32x128xf32> to vector<1x128xf32>
    %add3A_120 = vector.broadcast %slice3A_119 : vector<1x128xf32> to vector<128x128xf32>
    %add3A_121 = arith.addf %add3A_120, %dot_general3A_118 : vector<128x128xf32>
    %mul3A_122 = arith.mulf %slice3A_116, %add3A_121 : vector<128x128xf32>
    %reduce_sum3A_123 = arith.constant dense<0.000000e+00> : vector<128xf32>
    %reduce_sum3A_124 = vector.multi_reduction <add>, %mul3A_122, %reduce_sum3A_123 [1] : vector<128x128xf32> to vector<128xf32>
    %broadcast_in_dim3A_125 = vector.shape_cast %reduce_sum3A_124 : vector<128xf32> to vector<128x1xf32>
    %slice3A_126 = vector.extract_strided_slice %convert_element_type3A_32 {offsets = [512, 0], sizes = [128, 128], strides = [1, 1]} : vector<4096x128xf32> to vector<128x128xf32>
    %dot_general3A_127 = arith.constant dense<0.000000e+00> : vector<128x128xf32>
    %dot_general3A_128 = tpu.matmul %convert_element_type3A_87, %slice3A_126, %dot_general3A_127 {dimension_numbers = #tpu.dot_dimension_numbers<[1], [0], [0], [1], [0, 0, 1, 1], [], []>, transpose_lhs_hint = false} : vector<128x128xf32>, vector<128x128xf32>, vector<128x128xf32> -> vector<128x128xf32>
    %slice3A_129 = vector.extract_strided_slice %add3A_82 {offsets = [4, 0], sizes = [1, 128], strides = [1, 1]} : vector<32x128xf32> to vector<1x128xf32>
    %add3A_130 = vector.broadcast %slice3A_129 : vector<1x128xf32> to vector<128x128xf32>
    %add3A_131 = arith.addf %add3A_130, %dot_general3A_128 : vector<128x128xf32>
    %mul3A_132 = arith.mulf %slice3A_126, %add3A_131 : vector<128x128xf32>
    %reduce_sum3A_133 = arith.constant dense<0.000000e+00> : vector<128xf32>
    %reduce_sum3A_134 = vector.multi_reduction <add>, %mul3A_132, %reduce_sum3A_133 [1] : vector<128x128xf32> to vector<128xf32>
    %broadcast_in_dim3A_135 = vector.shape_cast %reduce_sum3A_134 : vector<128xf32> to vector<128x1xf32>
    %slice3A_136 = vector.extract_strided_slice %convert_element_type3A_32 {offsets = [640, 0], sizes = [128, 128], strides = [1, 1]} : vector<4096x128xf32> to vector<128x128xf32>
    %dot_general3A_137 = arith.constant dense<0.000000e+00> : vector<128x128xf32>
    %dot_general3A_138 = tpu.matmul %convert_element_type3A_87, %slice3A_136, %dot_general3A_137 {dimension_numbers = #tpu.dot_dimension_numbers<[1], [0], [0], [1], [0, 0, 1, 1], [], []>, transpose_lhs_hint = false} : vector<128x128xf32>, vector<128x128xf32>, vector<128x128xf32> -> vector<128x128xf32>
    %slice3A_139 = vector.extract_strided_slice %add3A_82 {offsets = [5, 0], sizes = [1, 128], strides = [1, 1]} : vector<32x128xf32> to vector<1x128xf32>
    %add3A_140 = vector.broadcast %slice3A_139 : vector<1x128xf32> to vector<128x128xf32>
    %add3A_141 = arith.addf %add3A_140, %dot_general3A_138 : vector<128x128xf32>
    %mul3A_142 = arith.mulf %slice3A_136, %add3A_141 : vector<128x128xf32>
    %reduce_sum3A_143 = arith.constant dense<0.000000e+00> : vector<128xf32>
    %reduce_sum3A_144 = vector.multi_reduction <add>, %mul3A_142, %reduce_sum3A_143 [1] : vector<128x128xf32> to vector<128xf32>
    %broadcast_in_dim3A_145 = vector.shape_cast %reduce_sum3A_144 : vector<128xf32> to vector<128x1xf32>
    %slice3A_146 = vector.extract_strided_slice %convert_element_type3A_32 {offsets = [768, 0], sizes = [128, 128], strides = [1, 1]} : vector<4096x128xf32> to vector<128x128xf32>
    %dot_general3A_147 = arith.constant dense<0.000000e+00> : vector<128x128xf32>
    %dot_general3A_148 = tpu.matmul %convert_element_type3A_87, %slice3A_146, %dot_general3A_147 {dimension_numbers = #tpu.dot_dimension_numbers<[1], [0], [0], [1], [0, 0, 1, 1], [], []>, transpose_lhs_hint = false} : vector<128x128xf32>, vector<128x128xf32>, vector<128x128xf32> -> vector<128x128xf32>
    %slice3A_149 = vector.extract_strided_slice %add3A_82 {offsets = [6, 0], sizes = [1, 128], strides = [1, 1]} : vector<32x128xf32> to vector<1x128xf32>
    %add3A_150 = vector.broadcast %slice3A_149 : vector<1x128xf32> to vector<128x128xf32>
    %add3A_151 = arith.addf %add3A_150, %dot_general3A_148 : vector<128x128xf32>
    %mul3A_152 = arith.mulf %slice3A_146, %add3A_151 : vector<128x128xf32>
    %reduce_sum3A_153 = arith.constant dense<0.000000e+00> : vector<128xf32>
    %reduce_sum3A_154 = vector.multi_reduction <add>, %mul3A_152, %reduce_sum3A_153 [1] : vector<128x128xf32> to vector<128xf32>
    %broadcast_in_dim3A_155 = vector.shape_cast %reduce_sum3A_154 : vector<128xf32> to vector<128x1xf32>
    %slice3A_156 = vector.extract_strided_slice %convert_element_type3A_32 {offsets = [896, 0], sizes = [128, 128], strides = [1, 1]} : vector<4096x128xf32> to vector<128x128xf32>
    %dot_general3A_157 = arith.constant dense<0.000000e+00> : vector<128x128xf32>
    %dot_general3A_158 = tpu.matmul %convert_element_type3A_87, %slice3A_156, %dot_general3A_157 {dimension_numbers = #tpu.dot_dimension_numbers<[1], [0], [0], [1], [0, 0, 1, 1], [], []>, transpose_lhs_hint = false} : vector<128x128xf32>, vector<128x128xf32>, vector<128x128xf32> -> vector<128x128xf32>
    %slice3A_159 = vector.extract_strided_slice %add3A_82 {offsets = [7, 0], sizes = [1, 128], strides = [1, 1]} : vector<32x128xf32> to vector<1x128xf32>
    %add3A_160 = vector.broadcast %slice3A_159 : vector<1x128xf32> to vector<128x128xf32>
    %add3A_161 = arith.addf %add3A_160, %dot_general3A_158 : vector<128x128xf32>
    %mul3A_162 = arith.mulf %slice3A_156, %add3A_161 : vector<128x128xf32>
    %reduce_sum3A_163 = arith.constant dense<0.000000e+00> : vector<128xf32>
    %reduce_sum3A_164 = vector.multi_reduction <add>, %mul3A_162, %reduce_sum3A_163 [1] : vector<128x128xf32> to vector<128xf32>
    %broadcast_in_dim3A_165 = vector.shape_cast %reduce_sum3A_164 : vector<128xf32> to vector<128x1xf32>
    %slice3A_166 = vector.extract_strided_slice %convert_element_type3A_32 {offsets = [1024, 0], sizes = [128, 128], strides = [1, 1]} : vector<4096x128xf32> to vector<128x128xf32>
    %dot_general3A_167 = arith.constant dense<0.000000e+00> : vector<128x128xf32>
    %dot_general3A_168 = tpu.matmul %convert_element_type3A_87, %slice3A_166, %dot_general3A_167 {dimension_numbers = #tpu.dot_dimension_numbers<[1], [0], [0], [1], [0, 0, 1, 1], [], []>, transpose_lhs_hint = false} : vector<128x128xf32>, vector<128x128xf32>, vector<128x128xf32> -> vector<128x128xf32>
    %slice3A_169 = vector.extract_strided_slice %add3A_82 {offsets = [8, 0], sizes = [1, 128], strides = [1, 1]} : vector<32x128xf32> to vector<1x128xf32>
    %add3A_170 = vector.broadcast %slice3A_169 : vector<1x128xf32> to vector<128x128xf32>
    %add3A_171 = arith.addf %add3A_170, %dot_general3A_168 : vector<128x128xf32>
    %mul3A_172 = arith.mulf %slice3A_166, %add3A_171 : vector<128x128xf32>
    %reduce_sum3A_173 = arith.constant dense<0.000000e+00> : vector<128xf32>
    %reduce_sum3A_174 = vector.multi_reduction <add>, %mul3A_172, %reduce_sum3A_173 [1] : vector<128x128xf32> to vector<128xf32>
    %broadcast_in_dim3A_175 = vector.shape_cast %reduce_sum3A_174 : vector<128xf32> to vector<128x1xf32>
    %slice3A_176 = vector.extract_strided_slice %convert_element_type3A_32 {offsets = [1152, 0], sizes = [128, 128], strides = [1, 1]} : vector<4096x128xf32> to vector<128x128xf32>
    %dot_general3A_177 = arith.constant dense<0.000000e+00> : vector<128x128xf32>
    %dot_general3A_178 = tpu.matmul %convert_element_type3A_87, %slice3A_176, %dot_general3A_177 {dimension_numbers = #tpu.dot_dimension_numbers<[1], [0], [0], [1], [0, 0, 1, 1], [], []>, transpose_lhs_hint = false} : vector<128x128xf32>, vector<128x128xf32>, vector<128x128xf32> -> vector<128x128xf32>
    %slice3A_179 = vector.extract_strided_slice %add3A_82 {offsets = [9, 0], sizes = [1, 128], strides = [1, 1]} : vector<32x128xf32> to vector<1x128xf32>
    %add3A_180 = vector.broadcast %slice3A_179 : vector<1x128xf32> to vector<128x128xf32>
    %add3A_181 = arith.addf %add3A_180, %dot_general3A_178 : vector<128x128xf32>
    %mul3A_182 = arith.mulf %slice3A_176, %add3A_181 : vector<128x128xf32>
    %reduce_sum3A_183 = arith.constant dense<0.000000e+00> : vector<128xf32>
    %reduce_sum3A_184 = vector.multi_reduction <add>, %mul3A_182, %reduce_sum3A_183 [1] : vector<128x128xf32> to vector<128xf32>
    %broadcast_in_dim3A_185 = vector.shape_cast %reduce_sum3A_184 : vector<128xf32> to vector<128x1xf32>
    %slice3A_186 = vector.extract_strided_slice %convert_element_type3A_32 {offsets = [1280, 0], sizes = [128, 128], strides = [1, 1]} : vector<4096x128xf32> to vector<128x128xf32>
    %dot_general3A_187 = arith.constant dense<0.000000e+00> : vector<128x128xf32>
    %dot_general3A_188 = tpu.matmul %convert_element_type3A_87, %slice3A_186, %dot_general3A_187 {dimension_numbers = #tpu.dot_dimension_numbers<[1], [0], [0], [1], [0, 0, 1, 1], [], []>, transpose_lhs_hint = false} : vector<128x128xf32>, vector<128x128xf32>, vector<128x128xf32> -> vector<128x128xf32>
    %slice3A_189 = vector.extract_strided_slice %add3A_82 {offsets = [10, 0], sizes = [1, 128], strides = [1, 1]} : vector<32x128xf32> to vector<1x128xf32>
    %add3A_190 = vector.broadcast %slice3A_189 : vector<1x128xf32> to vector<128x128xf32>
    %add3A_191 = arith.addf %add3A_190, %dot_general3A_188 : vector<128x128xf32>
    %mul3A_192 = arith.mulf %slice3A_186, %add3A_191 : vector<128x128xf32>
    %reduce_sum3A_193 = arith.constant dense<0.000000e+00> : vector<128xf32>
    %reduce_sum3A_194 = vector.multi_reduction <add>, %mul3A_192, %reduce_sum3A_193 [1] : vector<128x128xf32> to vector<128xf32>
    %broadcast_in_dim3A_195 = vector.shape_cast %reduce_sum3A_194 : vector<128xf32> to vector<128x1xf32>
    %slice3A_196 = vector.extract_strided_slice %convert_element_type3A_32 {offsets = [1408, 0], sizes = [128, 128], strides = [1, 1]} : vector<4096x128xf32> to vector<128x128xf32>
    %dot_general3A_197 = arith.constant dense<0.000000e+00> : vector<128x128xf32>
    %dot_general3A_198 = tpu.matmul %convert_element_type3A_87, %slice3A_196, %dot_general3A_197 {dimension_numbers = #tpu.dot_dimension_numbers<[1], [0], [0], [1], [0, 0, 1, 1], [], []>, transpose_lhs_hint = false} : vector<128x128xf32>, vector<128x128xf32>, vector<128x128xf32> -> vector<128x128xf32>
    %slice3A_199 = vector.extract_strided_slice %add3A_82 {offsets = [11, 0], sizes = [1, 128], strides = [1, 1]} : vector<32x128xf32> to vector<1x128xf32>
    %add3A_200 = vector.broadcast %slice3A_199 : vector<1x128xf32> to vector<128x128xf32>
    %add3A_201 = arith.addf %add3A_200, %dot_general3A_198 : vector<128x128xf32>
    %mul3A_202 = arith.mulf %slice3A_196, %add3A_201 : vector<128x128xf32>
    %reduce_sum3A_203 = arith.constant dense<0.000000e+00> : vector<128xf32>
    %reduce_sum3A_204 = vector.multi_reduction <add>, %mul3A_202, %reduce_sum3A_203 [1] : vector<128x128xf32> to vector<128xf32>
    %broadcast_in_dim3A_205 = vector.shape_cast %reduce_sum3A_204 : vector<128xf32> to vector<128x1xf32>
    %slice3A_206 = vector.extract_strided_slice %convert_element_type3A_32 {offsets = [1536, 0], sizes = [128, 128], strides = [1, 1]} : vector<4096x128xf32> to vector<128x128xf32>
    %dot_general3A_207 = arith.constant dense<0.000000e+00> : vector<128x128xf32>
    %dot_general3A_208 = tpu.matmul %convert_element_type3A_87, %slice3A_206, %dot_general3A_207 {dimension_numbers = #tpu.dot_dimension_numbers<[1], [0], [0], [1], [0, 0, 1, 1], [], []>, transpose_lhs_hint = false} : vector<128x128xf32>, vector<128x128xf32>, vector<128x128xf32> -> vector<128x128xf32>
    %slice3A_209 = vector.extract_strided_slice %add3A_82 {offsets = [12, 0], sizes = [1, 128], strides = [1, 1]} : vector<32x128xf32> to vector<1x128xf32>
    %add3A_210 = vector.broadcast %slice3A_209 : vector<1x128xf32> to vector<128x128xf32>
    %add3A_211 = arith.addf %add3A_210, %dot_general3A_208 : vector<128x128xf32>
    %mul3A_212 = arith.mulf %slice3A_206, %add3A_211 : vector<128x128xf32>
    %reduce_sum3A_213 = arith.constant dense<0.000000e+00> : vector<128xf32>
    %reduce_sum3A_214 = vector.multi_reduction <add>, %mul3A_212, %reduce_sum3A_213 [1] : vector<128x128xf32> to vector<128xf32>
    %broadcast_in_dim3A_215 = vector.shape_cast %reduce_sum3A_214 : vector<128xf32> to vector<128x1xf32>
    %slice3A_216 = vector.extract_strided_slice %convert_element_type3A_32 {offsets = [1664, 0], sizes = [128, 128], strides = [1, 1]} : vector<4096x128xf32> to vector<128x128xf32>
    %dot_general3A_217 = arith.constant dense<0.000000e+00> : vector<128x128xf32>
    %dot_general3A_218 = tpu.matmul %convert_element_type3A_87, %slice3A_216, %dot_general3A_217 {dimension_numbers = #tpu.dot_dimension_numbers<[1], [0], [0], [1], [0, 0, 1, 1], [], []>, transpose_lhs_hint = false} : vector<128x128xf32>, vector<128x128xf32>, vector<128x128xf32> -> vector<128x128xf32>
    %slice3A_219 = vector.extract_strided_slice %add3A_82 {offsets = [13, 0], sizes = [1, 128], strides = [1, 1]} : vector<32x128xf32> to vector<1x128xf32>
    %add3A_220 = vector.broadcast %slice3A_219 : vector<1x128xf32> to vector<128x128xf32>
    %add3A_221 = arith.addf %add3A_220, %dot_general3A_218 : vector<128x128xf32>
    %mul3A_222 = arith.mulf %slice3A_216, %add3A_221 : vector<128x128xf32>
    %reduce_sum3A_223 = arith.constant dense<0.000000e+00> : vector<128xf32>
    %reduce_sum3A_224 = vector.multi_reduction <add>, %mul3A_222, %reduce_sum3A_223 [1] : vector<128x128xf32> to vector<128xf32>
    %broadcast_in_dim3A_225 = vector.shape_cast %reduce_sum3A_224 : vector<128xf32> to vector<128x1xf32>
    %slice3A_226 = vector.extract_strided_slice %convert_element_type3A_32 {offsets = [1792, 0], sizes = [128, 128], strides = [1, 1]} : vector<4096x128xf32> to vector<128x128xf32>
    %dot_general3A_227 = arith.constant dense<0.000000e+00> : vector<128x128xf32>
    %dot_general3A_228 = tpu.matmul %convert_element_type3A_87, %slice3A_226, %dot_general3A_227 {dimension_numbers = #tpu.dot_dimension_numbers<[1], [0], [0], [1], [0, 0, 1, 1], [], []>, transpose_lhs_hint = false} : vector<128x128xf32>, vector<128x128xf32>, vector<128x128xf32> -> vector<128x128xf32>
    %slice3A_229 = vector.extract_strided_slice %add3A_82 {offsets = [14, 0], sizes = [1, 128], strides = [1, 1]} : vector<32x128xf32> to vector<1x128xf32>
    %add3A_230 = vector.broadcast %slice3A_229 : vector<1x128xf32> to vector<128x128xf32>
    %add3A_231 = arith.addf %add3A_230, %dot_general3A_228 : vector<128x128xf32>
    %mul3A_232 = arith.mulf %slice3A_226, %add3A_231 : vector<128x128xf32>
    %reduce_sum3A_233 = arith.constant dense<0.000000e+00> : vector<128xf32>
    %reduce_sum3A_234 = vector.multi_reduction <add>, %mul3A_232, %reduce_sum3A_233 [1] : vector<128x128xf32> to vector<128xf32>
    %broadcast_in_dim3A_235 = vector.shape_cast %reduce_sum3A_234 : vector<128xf32> to vector<128x1xf32>
    %slice3A_236 = vector.extract_strided_slice %convert_element_type3A_32 {offsets = [1920, 0], sizes = [128, 128], strides = [1, 1]} : vector<4096x128xf32> to vector<128x128xf32>
    %dot_general3A_237 = arith.constant dense<0.000000e+00> : vector<128x128xf32>
    %dot_general3A_238 = tpu.matmul %convert_element_type3A_87, %slice3A_236, %dot_general3A_237 {dimension_numbers = #tpu.dot_dimension_numbers<[1], [0], [0], [1], [0, 0, 1, 1], [], []>, transpose_lhs_hint = false} : vector<128x128xf32>, vector<128x128xf32>, vector<128x128xf32> -> vector<128x128xf32>
    %slice3A_239 = vector.extract_strided_slice %add3A_82 {offsets = [15, 0], sizes = [1, 128], strides = [1, 1]} : vector<32x128xf32> to vector<1x128xf32>
    %add3A_240 = vector.broadcast %slice3A_239 : vector<1x128xf32> to vector<128x128xf32>
    %add3A_241 = arith.addf %add3A_240, %dot_general3A_238 : vector<128x128xf32>
    %mul3A_242 = arith.mulf %slice3A_236, %add3A_241 : vector<128x128xf32>
    %reduce_sum3A_243 = arith.constant dense<0.000000e+00> : vector<128xf32>
    %reduce_sum3A_244 = vector.multi_reduction <add>, %mul3A_242, %reduce_sum3A_243 [1] : vector<128x128xf32> to vector<128xf32>
    %broadcast_in_dim3A_245 = vector.shape_cast %reduce_sum3A_244 : vector<128xf32> to vector<128x1xf32>
    %slice3A_246 = vector.extract_strided_slice %convert_element_type3A_32 {offsets = [2048, 0], sizes = [128, 128], strides = [1, 1]} : vector<4096x128xf32> to vector<128x128xf32>
    %dot_general3A_247 = arith.constant dense<0.000000e+00> : vector<128x128xf32>
    %dot_general3A_248 = tpu.matmul %convert_element_type3A_87, %slice3A_246, %dot_general3A_247 {dimension_numbers = #tpu.dot_dimension_numbers<[1], [0], [0], [1], [0, 0, 1, 1], [], []>, transpose_lhs_hint = false} : vector<128x128xf32>, vector<128x128xf32>, vector<128x128xf32> -> vector<128x128xf32>
    %slice3A_249 = vector.extract_strided_slice %add3A_82 {offsets = [16, 0], sizes = [1, 128], strides = [1, 1]} : vector<32x128xf32> to vector<1x128xf32>
    %add3A_250 = vector.broadcast %slice3A_249 : vector<1x128xf32> to vector<128x128xf32>
    %add3A_251 = arith.addf %add3A_250, %dot_general3A_248 : vector<128x128xf32>
    %mul3A_252 = arith.mulf %slice3A_246, %add3A_251 : vector<128x128xf32>
    %reduce_sum3A_253 = arith.constant dense<0.000000e+00> : vector<128xf32>
    %reduce_sum3A_254 = vector.multi_reduction <add>, %mul3A_252, %reduce_sum3A_253 [1] : vector<128x128xf32> to vector<128xf32>
    %broadcast_in_dim3A_255 = vector.shape_cast %reduce_sum3A_254 : vector<128xf32> to vector<128x1xf32>
    %slice3A_256 = vector.extract_strided_slice %convert_element_type3A_32 {offsets = [2176, 0], sizes = [128, 128], strides = [1, 1]} : vector<4096x128xf32> to vector<128x128xf32>
    %dot_general3A_257 = arith.constant dense<0.000000e+00> : vector<128x128xf32>
    %dot_general3A_258 = tpu.matmul %convert_element_type3A_87, %slice3A_256, %dot_general3A_257 {dimension_numbers = #tpu.dot_dimension_numbers<[1], [0], [0], [1], [0, 0, 1, 1], [], []>, transpose_lhs_hint = false} : vector<128x128xf32>, vector<128x128xf32>, vector<128x128xf32> -> vector<128x128xf32>
    %slice3A_259 = vector.extract_strided_slice %add3A_82 {offsets = [17, 0], sizes = [1, 128], strides = [1, 1]} : vector<32x128xf32> to vector<1x128xf32>
    %add3A_260 = vector.broadcast %slice3A_259 : vector<1x128xf32> to vector<128x128xf32>
    %add3A_261 = arith.addf %add3A_260, %dot_general3A_258 : vector<128x128xf32>
    %mul3A_262 = arith.mulf %slice3A_256, %add3A_261 : vector<128x128xf32>
    %reduce_sum3A_263 = arith.constant dense<0.000000e+00> : vector<128xf32>
    %reduce_sum3A_264 = vector.multi_reduction <add>, %mul3A_262, %reduce_sum3A_263 [1] : vector<128x128xf32> to vector<128xf32>
    %broadcast_in_dim3A_265 = vector.shape_cast %reduce_sum3A_264 : vector<128xf32> to vector<128x1xf32>
    %slice3A_266 = vector.extract_strided_slice %convert_element_type3A_32 {offsets = [2304, 0], sizes = [128, 128], strides = [1, 1]} : vector<4096x128xf32> to vector<128x128xf32>
    %dot_general3A_267 = arith.constant dense<0.000000e+00> : vector<128x128xf32>
    %dot_general3A_268 = tpu.matmul %convert_element_type3A_87, %slice3A_266, %dot_general3A_267 {dimension_numbers = #tpu.dot_dimension_numbers<[1], [0], [0], [1], [0, 0, 1, 1], [], []>, transpose_lhs_hint = false} : vector<128x128xf32>, vector<128x128xf32>, vector<128x128xf32> -> vector<128x128xf32>
    %slice3A_269 = vector.extract_strided_slice %add3A_82 {offsets = [18, 0], sizes = [1, 128], strides = [1, 1]} : vector<32x128xf32> to vector<1x128xf32>
    %add3A_270 = vector.broadcast %slice3A_269 : vector<1x128xf32> to vector<128x128xf32>
    %add3A_271 = arith.addf %add3A_270, %dot_general3A_268 : vector<128x128xf32>
    %mul3A_272 = arith.mulf %slice3A_266, %add3A_271 : vector<128x128xf32>
    %reduce_sum3A_273 = arith.constant dense<0.000000e+00> : vector<128xf32>
    %reduce_sum3A_274 = vector.multi_reduction <add>, %mul3A_272, %reduce_sum3A_273 [1] : vector<128x128xf32> to vector<128xf32>
    %broadcast_in_dim3A_275 = vector.shape_cast %reduce_sum3A_274 : vector<128xf32> to vector<128x1xf32>
    %slice3A_276 = vector.extract_strided_slice %convert_element_type3A_32 {offsets = [2432, 0], sizes = [128, 128], strides = [1, 1]} : vector<4096x128xf32> to vector<128x128xf32>
    %dot_general3A_277 = arith.constant dense<0.000000e+00> : vector<128x128xf32>
    %dot_general3A_278 = tpu.matmul %convert_element_type3A_87, %slice3A_276, %dot_general3A_277 {dimension_numbers = #tpu.dot_dimension_numbers<[1], [0], [0], [1], [0, 0, 1, 1], [], []>, transpose_lhs_hint = false} : vector<128x128xf32>, vector<128x128xf32>, vector<128x128xf32> -> vector<128x128xf32>
    %slice3A_279 = vector.extract_strided_slice %add3A_82 {offsets = [19, 0], sizes = [1, 128], strides = [1, 1]} : vector<32x128xf32> to vector<1x128xf32>
    %add3A_280 = vector.broadcast %slice3A_279 : vector<1x128xf32> to vector<128x128xf32>
    %add3A_281 = arith.addf %add3A_280, %dot_general3A_278 : vector<128x128xf32>
    %mul3A_282 = arith.mulf %slice3A_276, %add3A_281 : vector<128x128xf32>
    %reduce_sum3A_283 = arith.constant dense<0.000000e+00> : vector<128xf32>
    %reduce_sum3A_284 = vector.multi_reduction <add>, %mul3A_282, %reduce_sum3A_283 [1] : vector<128x128xf32> to vector<128xf32>
    %broadcast_in_dim3A_285 = vector.shape_cast %reduce_sum3A_284 : vector<128xf32> to vector<128x1xf32>
    %slice3A_286 = vector.extract_strided_slice %convert_element_type3A_32 {offsets = [2560, 0], sizes = [128, 128], strides = [1, 1]} : vector<4096x128xf32> to vector<128x128xf32>
    %dot_general3A_287 = arith.constant dense<0.000000e+00> : vector<128x128xf32>
    %dot_general3A_288 = tpu.matmul %convert_element_type3A_87, %slice3A_286, %dot_general3A_287 {dimension_numbers = #tpu.dot_dimension_numbers<[1], [0], [0], [1], [0, 0, 1, 1], [], []>, transpose_lhs_hint = false} : vector<128x128xf32>, vector<128x128xf32>, vector<128x128xf32> -> vector<128x128xf32>
    %slice3A_289 = vector.extract_strided_slice %add3A_82 {offsets = [20, 0], sizes = [1, 128], strides = [1, 1]} : vector<32x128xf32> to vector<1x128xf32>
    %add3A_290 = vector.broadcast %slice3A_289 : vector<1x128xf32> to vector<128x128xf32>
    %add3A_291 = arith.addf %add3A_290, %dot_general3A_288 : vector<128x128xf32>
    %mul3A_292 = arith.mulf %slice3A_286, %add3A_291 : vector<128x128xf32>
    %reduce_sum3A_293 = arith.constant dense<0.000000e+00> : vector<128xf32>
    %reduce_sum3A_294 = vector.multi_reduction <add>, %mul3A_292, %reduce_sum3A_293 [1] : vector<128x128xf32> to vector<128xf32>
    %broadcast_in_dim3A_295 = vector.shape_cast %reduce_sum3A_294 : vector<128xf32> to vector<128x1xf32>
    %slice3A_296 = vector.extract_strided_slice %convert_element_type3A_32 {offsets = [2688, 0], sizes = [128, 128], strides = [1, 1]} : vector<4096x128xf32> to vector<128x128xf32>
    %dot_general3A_297 = arith.constant dense<0.000000e+00> : vector<128x128xf32>
    %dot_general3A_298 = tpu.matmul %convert_element_type3A_87, %slice3A_296, %dot_general3A_297 {dimension_numbers = #tpu.dot_dimension_numbers<[1], [0], [0], [1], [0, 0, 1, 1], [], []>, transpose_lhs_hint = false} : vector<128x128xf32>, vector<128x128xf32>, vector<128x128xf32> -> vector<128x128xf32>
    %slice3A_299 = vector.extract_strided_slice %add3A_82 {offsets = [21, 0], sizes = [1, 128], strides = [1, 1]} : vector<32x128xf32> to vector<1x128xf32>
    %add3A_300 = vector.broadcast %slice3A_299 : vector<1x128xf32> to vector<128x128xf32>
    %add3A_301 = arith.addf %add3A_300, %dot_general3A_298 : vector<128x128xf32>
    %mul3A_302 = arith.mulf %slice3A_296, %add3A_301 : vector<128x128xf32>
    %reduce_sum3A_303 = arith.constant dense<0.000000e+00> : vector<128xf32>
    %reduce_sum3A_304 = vector.multi_reduction <add>, %mul3A_302, %reduce_sum3A_303 [1] : vector<128x128xf32> to vector<128xf32>
    %broadcast_in_dim3A_305 = vector.shape_cast %reduce_sum3A_304 : vector<128xf32> to vector<128x1xf32>
    %slice3A_306 = vector.extract_strided_slice %convert_element_type3A_32 {offsets = [2816, 0], sizes = [128, 128], strides = [1, 1]} : vector<4096x128xf32> to vector<128x128xf32>
    %dot_general3A_307 = arith.constant dense<0.000000e+00> : vector<128x128xf32>
    %dot_general3A_308 = tpu.matmul %convert_element_type3A_87, %slice3A_306, %dot_general3A_307 {dimension_numbers = #tpu.dot_dimension_numbers<[1], [0], [0], [1], [0, 0, 1, 1], [], []>, transpose_lhs_hint = false} : vector<128x128xf32>, vector<128x128xf32>, vector<128x128xf32> -> vector<128x128xf32>
    %slice3A_309 = vector.extract_strided_slice %add3A_82 {offsets = [22, 0], sizes = [1, 128], strides = [1, 1]} : vector<32x128xf32> to vector<1x128xf32>
    %add3A_310 = vector.broadcast %slice3A_309 : vector<1x128xf32> to vector<128x128xf32>
    %add3A_311 = arith.addf %add3A_310, %dot_general3A_308 : vector<128x128xf32>
    %mul3A_312 = arith.mulf %slice3A_306, %add3A_311 : vector<128x128xf32>
    %reduce_sum3A_313 = arith.constant dense<0.000000e+00> : vector<128xf32>
    %reduce_sum3A_314 = vector.multi_reduction <add>, %mul3A_312, %reduce_sum3A_313 [1] : vector<128x128xf32> to vector<128xf32>
    %broadcast_in_dim3A_315 = vector.shape_cast %reduce_sum3A_314 : vector<128xf32> to vector<128x1xf32>
    %slice3A_316 = vector.extract_strided_slice %convert_element_type3A_32 {offsets = [2944, 0], sizes = [128, 128], strides = [1, 1]} : vector<4096x128xf32> to vector<128x128xf32>
    %dot_general3A_317 = arith.constant dense<0.000000e+00> : vector<128x128xf32>
    %dot_general3A_318 = tpu.matmul %convert_element_type3A_87, %slice3A_316, %dot_general3A_317 {dimension_numbers = #tpu.dot_dimension_numbers<[1], [0], [0], [1], [0, 0, 1, 1], [], []>, transpose_lhs_hint = false} : vector<128x128xf32>, vector<128x128xf32>, vector<128x128xf32> -> vector<128x128xf32>
    %slice3A_319 = vector.extract_strided_slice %add3A_82 {offsets = [23, 0], sizes = [1, 128], strides = [1, 1]} : vector<32x128xf32> to vector<1x128xf32>
    %add3A_320 = vector.broadcast %slice3A_319 : vector<1x128xf32> to vector<128x128xf32>
    %add3A_321 = arith.addf %add3A_320, %dot_general3A_318 : vector<128x128xf32>
    %mul3A_322 = arith.mulf %slice3A_316, %add3A_321 : vector<128x128xf32>
    %reduce_sum3A_323 = arith.constant dense<0.000000e+00> : vector<128xf32>
    %reduce_sum3A_324 = vector.multi_reduction <add>, %mul3A_322, %reduce_sum3A_323 [1] : vector<128x128xf32> to vector<128xf32>
    %broadcast_in_dim3A_325 = vector.shape_cast %reduce_sum3A_324 : vector<128xf32> to vector<128x1xf32>
    %slice3A_326 = vector.extract_strided_slice %convert_element_type3A_32 {offsets = [3072, 0], sizes = [128, 128], strides = [1, 1]} : vector<4096x128xf32> to vector<128x128xf32>
    %dot_general3A_327 = arith.constant dense<0.000000e+00> : vector<128x128xf32>
    %dot_general3A_328 = tpu.matmul %convert_element_type3A_87, %slice3A_326, %dot_general3A_327 {dimension_numbers = #tpu.dot_dimension_numbers<[1], [0], [0], [1], [0, 0, 1, 1], [], []>, transpose_lhs_hint = false} : vector<128x128xf32>, vector<128x128xf32>, vector<128x128xf32> -> vector<128x128xf32>
    %slice3A_329 = vector.extract_strided_slice %add3A_82 {offsets = [24, 0], sizes = [1, 128], strides = [1, 1]} : vector<32x128xf32> to vector<1x128xf32>
    %add3A_330 = vector.broadcast %slice3A_329 : vector<1x128xf32> to vector<128x128xf32>
    %add3A_331 = arith.addf %add3A_330, %dot_general3A_328 : vector<128x128xf32>
    %mul3A_332 = arith.mulf %slice3A_326, %add3A_331 : vector<128x128xf32>
    %reduce_sum3A_333 = arith.constant dense<0.000000e+00> : vector<128xf32>
    %reduce_sum3A_334 = vector.multi_reduction <add>, %mul3A_332, %reduce_sum3A_333 [1] : vector<128x128xf32> to vector<128xf32>
    %broadcast_in_dim3A_335 = vector.shape_cast %reduce_sum3A_334 : vector<128xf32> to vector<128x1xf32>
    %slice3A_336 = vector.extract_strided_slice %convert_element_type3A_32 {offsets = [3200, 0], sizes = [128, 128], strides = [1, 1]} : vector<4096x128xf32> to vector<128x128xf32>
    %dot_general3A_337 = arith.constant dense<0.000000e+00> : vector<128x128xf32>
    %dot_general3A_338 = tpu.matmul %convert_element_type3A_87, %slice3A_336, %dot_general3A_337 {dimension_numbers = #tpu.dot_dimension_numbers<[1], [0], [0], [1], [0, 0, 1, 1], [], []>, transpose_lhs_hint = false} : vector<128x128xf32>, vector<128x128xf32>, vector<128x128xf32> -> vector<128x128xf32>
    %slice3A_339 = vector.extract_strided_slice %add3A_82 {offsets = [25, 0], sizes = [1, 128], strides = [1, 1]} : vector<32x128xf32> to vector<1x128xf32>
    %add3A_340 = vector.broadcast %slice3A_339 : vector<1x128xf32> to vector<128x128xf32>
    %add3A_341 = arith.addf %add3A_340, %dot_general3A_338 : vector<128x128xf32>
    %mul3A_342 = arith.mulf %slice3A_336, %add3A_341 : vector<128x128xf32>
    %reduce_sum3A_343 = arith.constant dense<0.000000e+00> : vector<128xf32>
    %reduce_sum3A_344 = vector.multi_reduction <add>, %mul3A_342, %reduce_sum3A_343 [1] : vector<128x128xf32> to vector<128xf32>
    %broadcast_in_dim3A_345 = vector.shape_cast %reduce_sum3A_344 : vector<128xf32> to vector<128x1xf32>
    %slice3A_346 = vector.extract_strided_slice %convert_element_type3A_32 {offsets = [3328, 0], sizes = [128, 128], strides = [1, 1]} : vector<4096x128xf32> to vector<128x128xf32>
    %dot_general3A_347 = arith.constant dense<0.000000e+00> : vector<128x128xf32>
    %dot_general3A_348 = tpu.matmul %convert_element_type3A_87, %slice3A_346, %dot_general3A_347 {dimension_numbers = #tpu.dot_dimension_numbers<[1], [0], [0], [1], [0, 0, 1, 1], [], []>, transpose_lhs_hint = false} : vector<128x128xf32>, vector<128x128xf32>, vector<128x128xf32> -> vector<128x128xf32>
    %slice3A_349 = vector.extract_strided_slice %add3A_82 {offsets = [26, 0], sizes = [1, 128], strides = [1, 1]} : vector<32x128xf32> to vector<1x128xf32>
    %add3A_350 = vector.broadcast %slice3A_349 : vector<1x128xf32> to vector<128x128xf32>
    %add3A_351 = arith.addf %add3A_350, %dot_general3A_348 : vector<128x128xf32>
    %mul3A_352 = arith.mulf %slice3A_346, %add3A_351 : vector<128x128xf32>
    %reduce_sum3A_353 = arith.constant dense<0.000000e+00> : vector<128xf32>
    %reduce_sum3A_354 = vector.multi_reduction <add>, %mul3A_352, %reduce_sum3A_353 [1] : vector<128x128xf32> to vector<128xf32>
    %broadcast_in_dim3A_355 = vector.shape_cast %reduce_sum3A_354 : vector<128xf32> to vector<128x1xf32>
    %slice3A_356 = vector.extract_strided_slice %convert_element_type3A_32 {offsets = [3456, 0], sizes = [128, 128], strides = [1, 1]} : vector<4096x128xf32> to vector<128x128xf32>
    %dot_general3A_357 = arith.constant dense<0.000000e+00> : vector<128x128xf32>
    %dot_general3A_358 = tpu.matmul %convert_element_type3A_87, %slice3A_356, %dot_general3A_357 {dimension_numbers = #tpu.dot_dimension_numbers<[1], [0], [0], [1], [0, 0, 1, 1], [], []>, transpose_lhs_hint = false} : vector<128x128xf32>, vector<128x128xf32>, vector<128x128xf32> -> vector<128x128xf32>
    %slice3A_359 = vector.extract_strided_slice %add3A_82 {offsets = [27, 0], sizes = [1, 128], strides = [1, 1]} : vector<32x128xf32> to vector<1x128xf32>
    %add3A_360 = vector.broadcast %slice3A_359 : vector<1x128xf32> to vector<128x128xf32>
    %add3A_361 = arith.addf %add3A_360, %dot_general3A_358 : vector<128x128xf32>
    %mul3A_362 = arith.mulf %slice3A_356, %add3A_361 : vector<128x128xf32>
    %reduce_sum3A_363 = arith.constant dense<0.000000e+00> : vector<128xf32>
    %reduce_sum3A_364 = vector.multi_reduction <add>, %mul3A_362, %reduce_sum3A_363 [1] : vector<128x128xf32> to vector<128xf32>
    %broadcast_in_dim3A_365 = vector.shape_cast %reduce_sum3A_364 : vector<128xf32> to vector<128x1xf32>
    %slice3A_366 = vector.extract_strided_slice %convert_element_type3A_32 {offsets = [3584, 0], sizes = [128, 128], strides = [1, 1]} : vector<4096x128xf32> to vector<128x128xf32>
    %dot_general3A_367 = arith.constant dense<0.000000e+00> : vector<128x128xf32>
    %dot_general3A_368 = tpu.matmul %convert_element_type3A_87, %slice3A_366, %dot_general3A_367 {dimension_numbers = #tpu.dot_dimension_numbers<[1], [0], [0], [1], [0, 0, 1, 1], [], []>, transpose_lhs_hint = false} : vector<128x128xf32>, vector<128x128xf32>, vector<128x128xf32> -> vector<128x128xf32>
    %slice3A_369 = vector.extract_strided_slice %add3A_82 {offsets = [28, 0], sizes = [1, 128], strides = [1, 1]} : vector<32x128xf32> to vector<1x128xf32>
    %add3A_370 = vector.broadcast %slice3A_369 : vector<1x128xf32> to vector<128x128xf32>
    %add3A_371 = arith.addf %add3A_370, %dot_general3A_368 : vector<128x128xf32>
    %mul3A_372 = arith.mulf %slice3A_366, %add3A_371 : vector<128x128xf32>
    %reduce_sum3A_373 = arith.constant dense<0.000000e+00> : vector<128xf32>
    %reduce_sum3A_374 = vector.multi_reduction <add>, %mul3A_372, %reduce_sum3A_373 [1] : vector<128x128xf32> to vector<128xf32>
    %broadcast_in_dim3A_375 = vector.shape_cast %reduce_sum3A_374 : vector<128xf32> to vector<128x1xf32>
    %slice3A_376 = vector.extract_strided_slice %convert_element_type3A_32 {offsets = [3712, 0], sizes = [128, 128], strides = [1, 1]} : vector<4096x128xf32> to vector<128x128xf32>
    %dot_general3A_377 = arith.constant dense<0.000000e+00> : vector<128x128xf32>
    %dot_general3A_378 = tpu.matmul %convert_element_type3A_87, %slice3A_376, %dot_general3A_377 {dimension_numbers = #tpu.dot_dimension_numbers<[1], [0], [0], [1], [0, 0, 1, 1], [], []>, transpose_lhs_hint = false} : vector<128x128xf32>, vector<128x128xf32>, vector<128x128xf32> -> vector<128x128xf32>
    %slice3A_379 = vector.extract_strided_slice %add3A_82 {offsets = [29, 0], sizes = [1, 128], strides = [1, 1]} : vector<32x128xf32> to vector<1x128xf32>
    %add3A_380 = vector.broadcast %slice3A_379 : vector<1x128xf32> to vector<128x128xf32>
    %add3A_381 = arith.addf %add3A_380, %dot_general3A_378 : vector<128x128xf32>
    %mul3A_382 = arith.mulf %slice3A_376, %add3A_381 : vector<128x128xf32>
    %reduce_sum3A_383 = arith.constant dense<0.000000e+00> : vector<128xf32>
    %reduce_sum3A_384 = vector.multi_reduction <add>, %mul3A_382, %reduce_sum3A_383 [1] : vector<128x128xf32> to vector<128xf32>
    %broadcast_in_dim3A_385 = vector.shape_cast %reduce_sum3A_384 : vector<128xf32> to vector<128x1xf32>
    %slice3A_386 = vector.extract_strided_slice %convert_element_type3A_32 {offsets = [3840, 0], sizes = [128, 128], strides = [1, 1]} : vector<4096x128xf32> to vector<128x128xf32>
    %dot_general3A_387 = arith.constant dense<0.000000e+00> : vector<128x128xf32>
    %dot_general3A_388 = tpu.matmul %convert_element_type3A_87, %slice3A_386, %dot_general3A_387 {dimension_numbers = #tpu.dot_dimension_numbers<[1], [0], [0], [1], [0, 0, 1, 1], [], []>, transpose_lhs_hint = false} : vector<128x128xf32>, vector<128x128xf32>, vector<128x128xf32> -> vector<128x128xf32>
    %slice3A_389 = vector.extract_strided_slice %add3A_82 {offsets = [30, 0], sizes = [1, 128], strides = [1, 1]} : vector<32x128xf32> to vector<1x128xf32>
    %add3A_390 = vector.broadcast %slice3A_389 : vector<1x128xf32> to vector<128x128xf32>
    %add3A_391 = arith.addf %add3A_390, %dot_general3A_388 : vector<128x128xf32>
    %mul3A_392 = arith.mulf %slice3A_386, %add3A_391 : vector<128x128xf32>
    %reduce_sum3A_393 = arith.constant dense<0.000000e+00> : vector<128xf32>
    %reduce_sum3A_394 = vector.multi_reduction <add>, %mul3A_392, %reduce_sum3A_393 [1] : vector<128x128xf32> to vector<128xf32>
    %broadcast_in_dim3A_395 = vector.shape_cast %reduce_sum3A_394 : vector<128xf32> to vector<128x1xf32>
    %slice3A_396 = vector.extract_strided_slice %convert_element_type3A_32 {offsets = [3968, 0], sizes = [128, 128], strides = [1, 1]} : vector<4096x128xf32> to vector<128x128xf32>
    %dot_general3A_397 = arith.constant dense<0.000000e+00> : vector<128x128xf32>
    %dot_general3A_398 = tpu.matmul %convert_element_type3A_87, %slice3A_396, %dot_general3A_397 {dimension_numbers = #tpu.dot_dimension_numbers<[1], [0], [0], [1], [0, 0, 1, 1], [], []>, transpose_lhs_hint = false} : vector<128x128xf32>, vector<128x128xf32>, vector<128x128xf32> -> vector<128x128xf32>
    %slice3A_399 = vector.extract_strided_slice %add3A_82 {offsets = [31, 0], sizes = [1, 128], strides = [1, 1]} : vector<32x128xf32> to vector<1x128xf32>
    %add3A_400 = vector.broadcast %slice3A_399 : vector<1x128xf32> to vector<128x128xf32>
    %add3A_401 = arith.addf %add3A_400, %dot_general3A_398 : vector<128x128xf32>
    %mul3A_402 = arith.mulf %slice3A_396, %add3A_401 : vector<128x128xf32>
    %reduce_sum3A_403 = arith.constant dense<0.000000e+00> : vector<128xf32>
    %reduce_sum3A_404 = vector.multi_reduction <add>, %mul3A_402, %reduce_sum3A_403 [1] : vector<128x128xf32> to vector<128xf32>
    %broadcast_in_dim3A_405 = vector.shape_cast %reduce_sum3A_404 : vector<128xf32> to vector<128x1xf32>
    %concatenate3A_406 = tpu.concatenate %broadcast_in_dim3A_95, %broadcast_in_dim3A_105, %broadcast_in_dim3A_115, %broadcast_in_dim3A_125, %broadcast_in_dim3A_135, %broadcast_in_dim3A_145, %broadcast_in_dim3A_155, %broadcast_in_dim3A_165, %broadcast_in_dim3A_175, %broadcast_in_dim3A_185, %broadcast_in_dim3A_195, %broadcast_in_dim3A_205, %broadcast_in_dim3A_215, %broadcast_in_dim3A_225, %broadcast_in_dim3A_235, %broadcast_in_dim3A_245, %broadcast_in_dim3A_255, %broadcast_in_dim3A_265, %broadcast_in_dim3A_275, %broadcast_in_dim3A_285, %broadcast_in_dim3A_295, %broadcast_in_dim3A_305, %broadcast_in_dim3A_315, %broadcast_in_dim3A_325, %broadcast_in_dim3A_335, %broadcast_in_dim3A_345, %broadcast_in_dim3A_355, %broadcast_in_dim3A_365, %broadcast_in_dim3A_375, %broadcast_in_dim3A_385, %broadcast_in_dim3A_395, %broadcast_in_dim3A_405 in 0 : vector<128x1xf32>, vector<128x1xf32>, vector<128x1xf32>, vector<128x1xf32>, vector<128x1xf32>, vector<128x1xf32>, vector<128x1xf32>, vector<128x1xf32>, vector<128x1xf32>, vector<128x1xf32>, vector<128x1xf32>, vector<128x1xf32>, vector<128x1xf32>, vector<128x1xf32>, vector<128x1xf32>, vector<128x1xf32>, vector<128x1xf32>, vector<128x1xf32>, vector<128x1xf32>, vector<128x1xf32>, vector<128x1xf32>, vector<128x1xf32>, vector<128x1xf32>, vector<128x1xf32>, vector<128x1xf32>, vector<128x1xf32>, vector<128x1xf32>, vector<128x1xf32>, vector<128x1xf32>, vector<128x1xf32>, vector<128x1xf32>, vector<128x1xf32> -> vector<4096x1xf32>
    %convert_element_type3A_407 = arith.fptosi %concatenate3A_406 : vector<4096x1xf32> to vector<4096x1xi32>
    %mul3A_408 = arith.constant 4096 : i32
    %mul3A_409 = arith.muli %arg0, %mul3A_408 : i32
    %add3A_410 = vector.broadcast %mul3A_409 : i32 to vector<4096x1xi32>
    %add3A_411 = arith.addi %convert_element_type3A_407, %add3A_410 : vector<4096x1xi32>
    %swap3A = arith.constant 0 : index
    %swap3A_412 = arith.constant 0 : index
    %swap3A_413 = arith.constant 0 : index
    %swap3A_414 = vector.load %arg3[%swap3A, %swap3A_412, %swap3A_413] : memref<1x4096x1xi32, #tpu.memory_space<vmem>>, vector<1x4096x1xi32>
    %swap3A_415 = vector.shape_cast %swap3A_414 : vector<1x4096x1xi32> to vector<4096x1xi32>
    %swap3A_416 = vector.shape_cast %add3A_411 : vector<4096x1xi32> to vector<1x4096x1xi32>
    tpu.vector_store %arg3[%swap3A, %swap3A_412, %swap3A_413], %swap3A_416 {strides = array<i32>} : memref<1x4096x1xi32, #tpu.memory_space<vmem>>, vector<1x4096x1xi32>,
    return
  }
  func.func @transform_0(%arg0: i32) -> (i32, i32, i32) {
    %c0_i32 = arith.constant 0 : i32
    %c0_i32_0 = arith.constant 0 : i32
    %c0_i32_1 = arith.constant 0 : i32
    return %arg0, %c0_i32, %c0_i32_0 : i32, i32, i32
  }
  func.func @transform_1(%arg0: i32) -> (i32, i32) {
    %c0_i32 = arith.constant 0 : i32
    %c0_i32_0 = arith.constant 0 : i32
    %c0_i32_1 = arith.constant 0 : i32
    return %c0_i32, %c0_i32_0 : i32, i32
  }
  func.func @transform_2(%arg0: i32) -> (i32, i32, i32) {
    %c0_i32 = arith.constant 0 : i32
    %c0_i32_0 = arith.constant 0 : i32
    %c0_i32_1 = arith.constant 0 : i32
    return %arg0, %c0_i32, %c0_i32_0 : i32, i32, i32
  }
}

module attributes {stable_mosaic.version = 14 : i64} {
  func.func @_attn_body(%arg0: i32, %arg1: i32, %arg2: memref<1x512x128xf32, #tpu.memory_space<vmem>>, %arg3: memref<1x32x128xf32, #tpu.memory_space<vmem>>, %arg4: memref<1x512x128xf32, #tpu.memory_space<vmem>>) attributes {dimension_semantics = [#tpu.dimension_semantics<arbitrary>, #tpu.dimension_semantics<arbitrary>], iteration_bounds = array<i64: 32, 8>, scalar_prefetch = 0 : i64, scratch_operands = 0 : i64, tpu.core_type = #tpu.core_type<tc>, window_params = [{transform_indices = @transform_0, window_bounds = array<i64: 1, 512, 128>}, {transform_indices = @transform_1, window_bounds = array<i64: 1, 32, 128>}, {transform_indices = @transform_2, window_bounds = array<i64: 1, 512, 128>}]} {
    %get3A = arith.constant 0 : index
    %get3A_0 = arith.constant 0 : index
    %get3A_1 = arith.constant 0 : index
    %get3A_2 = vector.load %arg2[%get3A, %get3A_0, %get3A_1] : memref<1x512x128xf32, #tpu.memory_space<vmem>>, vector<1x512x128xf32>
    %get3A_3 = vector.shape_cast %get3A_2 : vector<1x512x128xf32> to vector<512x128xf32>
    %get3A_4 = arith.constant 0 : index
    %get3A_5 = arith.constant 0 : index
    %get3A_6 = arith.constant 0 : index
    %get3A_7 = vector.load %arg3[%get3A_4, %get3A_5, %get3A_6] : memref<1x32x128xf32, #tpu.memory_space<vmem>>, vector<1x32x128xf32>
    %get3A_8 = vector.shape_cast %get3A_7 : vector<1x32x128xf32> to vector<32x128xf32>
    %concatenate3A = tpu.concatenate %get3A_8, %get3A_3 in 0 : vector<32x128xf32>, vector<512x128xf32> -> vector<544x128xf32>
    %slice3A = vector.extract_strided_slice %get3A_3 {offsets = [0, 0], sizes = [512, 64], strides = [1, 1]} : vector<512x128xf32> to vector<512x64xf32>
    %slice3A_9 = vector.extract_strided_slice %concatenate3A {offsets = [0, 0], sizes = [544, 64], strides = [1, 1]} : vector<544x128xf32> to vector<544x64xf32>
    %slice3A_10 = vector.extract_strided_slice %concatenate3A {offsets = [0, 64], sizes = [544, 64], strides = [1, 1]} : vector<544x128xf32> to vector<544x64xf32>
    %dot_general3A = arith.constant dense<0.000000e+00> : vector<512x544xf32>
    %dot_general3A_11 = tpu.matmul %slice3A, %slice3A_9, %dot_general3A {dimension_numbers = #tpu.dot_dimension_numbers<[1], [1], [0], [0], [0, 0, 1, 0], [], []>, transpose_lhs_hint = false} : vector<512x64xf32>, vector<544x64xf32>, vector<512x544xf32> -> vector<512x544xf32>
    %mul3A = arith.constant 8.000000e+00 : f32
    %mul3A_12 = vector.broadcast %mul3A : f32 to vector<512x544xf32>
    %mul3A_13 = arith.mulf %dot_general3A_11, %mul3A_12 : vector<512x544xf32>
    %iota3A = tpu.iota {dimensions = array<i32: 0>} : vector<512x544xi32>
    %jit3A = arith.constant 32 : i32
    %div3A = vector.broadcast %jit3A : i32 to vector<512x544xi32>
    %div3A_14 = arith.divsi %iota3A, %div3A : vector<512x544xi32>
    %sign3A = arith.constant 0 : i32
    %sign3A_15 = vector.broadcast %sign3A : i32 to vector<512x544xi32>
    %sign3A_16 = arith.cmpi sgt, %iota3A, %sign3A_15 : vector<512x544xi32>
    %sign3A_17 = arith.extui %sign3A_16 : vector<512x544xi1> to vector<512x544xi32>
    %sign3A_18 = arith.constant 0 : i32
    %sign3A_19 = vector.broadcast %sign3A_18 : i32 to vector<512x544xi32>
    %sign3A_20 = arith.cmpi slt, %iota3A, %sign3A_19 : vector<512x544xi32>
    %sign3A_21 = arith.extui %sign3A_20 : vector<512x544xi1> to vector<512x544xi32>
    %sign3A_22 = arith.subi %sign3A_17, %sign3A_21 : vector<512x544xi32>
    %sign3A_23 = arith.constant 0 : i32
    %sign3A_24 = arith.cmpi sgt, %jit3A, %sign3A_23 : i32
    %sign3A_25 = arith.extui %sign3A_24 : i1 to i32
    %sign3A_26 = arith.constant 0 : i32
    %sign3A_27 = arith.cmpi slt, %jit3A, %sign3A_26 : i32
    %sign3A_28 = arith.extui %sign3A_27 : i1 to i32
    %sign3A_29 = arith.subi %sign3A_25, %sign3A_28 : i32
    %ne3A = vector.broadcast %sign3A_29 : i32 to vector<512x544xi32>
    %ne3A_30 = arith.cmpi ne, %sign3A_22, %ne3A : vector<512x544xi32>
    %rem3A = vector.broadcast %jit3A : i32 to vector<512x544xi32>
    %rem3A_31 = arith.remsi %iota3A, %rem3A : vector<512x544xi32>
    %ne3A_32 = arith.constant 0 : i32
    %ne3A_33 = vector.broadcast %ne3A_32 : i32 to vector<512x544xi32>
    %ne3A_34 = arith.cmpi ne, %rem3A_31, %ne3A_33 : vector<512x544xi32>
    %and3A = arith.andi %ne3A_30, %ne3A_34 : vector<512x544xi1>
    %sub3A = arith.constant 1 : i32
    %sub3A_35 = vector.broadcast %sub3A : i32 to vector<512x544xi32>
    %sub3A_36 = arith.subi %div3A_14, %sub3A_35 : vector<512x544xi32>
    %select_n3A = arith.select %and3A, %sub3A_36, %div3A_14 : vector<512x544xi1>, vector<512x544xi32>
    %iota3A_37 = tpu.iota {dimensions = array<i32: 1>} : vector<512x544xi32>
    %jit3A_38 = arith.constant 32 : i32
    %div3A_39 = vector.broadcast %jit3A_38 : i32 to vector<512x544xi32>
    %div3A_40 = arith.divsi %iota3A_37, %div3A_39 : vector<512x544xi32>
    %sign3A_41 = arith.constant 0 : i32
    %sign3A_42 = vector.broadcast %sign3A_41 : i32 to vector<512x544xi32>
    %sign3A_43 = arith.cmpi sgt, %iota3A_37, %sign3A_42 : vector<512x544xi32>
    %sign3A_44 = arith.extui %sign3A_43 : vector<512x544xi1> to vector<512x544xi32>
    %sign3A_45 = arith.constant 0 : i32
    %sign3A_46 = vector.broadcast %sign3A_45 : i32 to vector<512x544xi32>
    %sign3A_47 = arith.cmpi slt, %iota3A_37, %sign3A_46 : vector<512x544xi32>
    %sign3A_48 = arith.extui %sign3A_47 : vector<512x544xi1> to vector<512x544xi32>
    %sign3A_49 = arith.subi %sign3A_44, %sign3A_48 : vector<512x544xi32>
    %sign3A_50 = arith.constant 0 : i32
    %sign3A_51 = arith.cmpi sgt, %jit3A_38, %sign3A_50 : i32
    %sign3A_52 = arith.extui %sign3A_51 : i1 to i32
    %sign3A_53 = arith.constant 0 : i32
    %sign3A_54 = arith.cmpi slt, %jit3A_38, %sign3A_53 : i32
    %sign3A_55 = arith.extui %sign3A_54 : i1 to i32
    %sign3A_56 = arith.subi %sign3A_52, %sign3A_55 : i32
    %ne3A_57 = vector.broadcast %sign3A_56 : i32 to vector<512x544xi32>
    %ne3A_58 = arith.cmpi ne, %sign3A_49, %ne3A_57 : vector<512x544xi32>
    %rem3A_59 = vector.broadcast %jit3A_38 : i32 to vector<512x544xi32>
    %rem3A_60 = arith.remsi %iota3A_37, %rem3A_59 : vector<512x544xi32>
    %ne3A_61 = arith.constant 0 : i32
    %ne3A_62 = vector.broadcast %ne3A_61 : i32 to vector<512x544xi32>
    %ne3A_63 = arith.cmpi ne, %rem3A_60, %ne3A_62 : vector<512x544xi32>
    %and3A_64 = arith.andi %ne3A_58, %ne3A_63 : vector<512x544xi1>
    %sub3A_65 = arith.constant 1 : i32
    %sub3A_66 = vector.broadcast %sub3A_65 : i32 to vector<512x544xi32>
    %sub3A_67 = arith.subi %div3A_40, %sub3A_66 : vector<512x544xi32>
    %select_n3A_68 = arith.select %and3A_64, %sub3A_67, %div3A_40 : vector<512x544xi1>, vector<512x544xi32>
    %sub3A_69 = arith.constant 1 : i32
    %sub3A_70 = vector.broadcast %sub3A_69 : i32 to vector<512x544xi32>
    %sub3A_71 = arith.subi %select_n3A_68, %sub3A_70 : vector<512x544xi32>
    %eq3A = arith.cmpi eq, %sub3A_71, %select_n3A : vector<512x544xi32>
    %sub3A_72 = arith.constant 1 : i32
    %sub3A_73 = vector.broadcast %sub3A_72 : i32 to vector<512x544xi32>
    %sub3A_74 = arith.subi %select_n3A, %sub3A_73 : vector<512x544xi32>
    %eq3A_75 = arith.cmpi eq, %sub3A_71, %sub3A_74 : vector<512x544xi32>
    %or3A = arith.ori %eq3A, %eq3A_75 : vector<512x544xi1>
    %jit3A_76 = arith.constant -1.000000e+30 : f32
    %broadcast_in_dim3A = vector.broadcast %jit3A_76 : f32 to vector<512x544xf32>
    %select_n3A_77 = arith.select %or3A, %mul3A_13, %broadcast_in_dim3A : vector<512x544xi1>, vector<512x544xf32>
    %reduce_max3A = arith.constant dense<0xFF800000> : vector<512xf32>
    %reduce_max3A_78 = vector.multi_reduction <maximumf>, %select_n3A_77, %reduce_max3A [1] : vector<512x544xf32> to vector<512xf32>
    %broadcast_in_dim3A_79 = vector.shape_cast %reduce_max3A_78 : vector<512xf32> to vector<512x1xf32>
    %sub3A_80 = vector.broadcast %broadcast_in_dim3A_79 : vector<512x1xf32> to vector<512x544xf32>
    %sub3A_81 = arith.subf %select_n3A_77, %sub3A_80 : vector<512x544xf32>
    %exp3A = math.exp %sub3A_81 : vector<512x544xf32>
    %reduce_sum3A = arith.constant dense<0.000000e+00> : vector<512xf32>
    %reduce_sum3A_82 = vector.multi_reduction <add>, %exp3A, %reduce_sum3A [1] : vector<512x544xf32> to vector<512xf32>
    %broadcast_in_dim3A_83 = vector.shape_cast %reduce_sum3A_82 : vector<512xf32> to vector<512x1xf32>
    %log3A = math.log %broadcast_in_dim3A_83 : vector<512x1xf32>
    %add3A = arith.addf %broadcast_in_dim3A_79, %log3A : vector<512x1xf32>
    %div3A_84 = vector.broadcast %broadcast_in_dim3A_83 : vector<512x1xf32> to vector<512x544xf32>
    %div3A_85 = arith.divf %exp3A, %div3A_84 : vector<512x544xf32>
    %dot_general3A_86 = arith.constant dense<0.000000e+00> : vector<512x64xf32>
    %dot_general3A_87 = tpu.matmul %div3A_85, %slice3A_10, %dot_general3A_86 {dimension_numbers = #tpu.dot_dimension_numbers<[1], [0], [0], [1], [0, 0, 1, 1], [], []>, transpose_lhs_hint = false} : vector<512x544xf32>, vector<544x64xf32>, vector<512x64xf32> -> vector<512x64xf32>
    %broadcast_in_dim3A_88 = vector.shape_cast %add3A : vector<512x1xf32> to vector<512x1xf32>
    %broadcast_in_dim3A_89 = vector.broadcast %broadcast_in_dim3A_88 : vector<512x1xf32> to vector<512x64xf32>
    %concatenate3A_90 = tpu.concatenate %dot_general3A_87, %broadcast_in_dim3A_89 in 1 : vector<512x64xf32>, vector<512x64xf32> -> vector<512x128xf32>
    %swap3A = arith.constant 0 : index
    %swap3A_91 = arith.constant 0 : index
    %swap3A_92 = arith.constant 0 : index
    %swap3A_93 = vector.load %arg4[%swap3A, %swap3A_91, %swap3A_92] : memref<1x512x128xf32, #tpu.memory_space<vmem>>, vector<1x512x128xf32>
    %swap3A_94 = vector.shape_cast %swap3A_93 : vector<1x512x128xf32> to vector<512x128xf32>
    %swap3A_95 = vector.shape_cast %concatenate3A_90 : vector<512x128xf32> to vector<1x512x128xf32>
    tpu.vector_store %arg4[%swap3A, %swap3A_91, %swap3A_92], %swap3A_95 {strides = array<i32>} : memref<1x512x128xf32, #tpu.memory_space<vmem>>, vector<1x512x128xf32>,
    return
  }
  func.func @transform_0(%arg0: i32, %arg1: i32) -> (i32, i32, i32) {
    %c0_i32 = arith.constant 0 : i32
    %c0_i32_0 = arith.constant 0 : i32
    return %arg0, %arg1, %c0_i32 : i32, i32, i32
  }
  func.func @transform_1(%arg0: i32, %arg1: i32) -> (i32, i32, i32) {
    %mul3A = arith.constant 16 : i32
    %mul3A_0 = arith.muli %arg1, %mul3A : i32
    %add3A = arith.constant 127 : i32
    %add3A_1 = arith.addi %mul3A_0, %add3A : i32
    %jit3A = arith.constant 128 : i32
    %eq3A = arith.constant 0 : i32
    %eq3A_2 = arith.cmpi eq, %jit3A, %eq3A : i32
    %jit3A_3 = arith.constant 1 : i32
    %select_n3A = arith.select %eq3A_2, %jit3A_3, %jit3A : i32
    %rem3A = arith.remsi %add3A_1, %select_n3A : i32
    %ne3A = arith.constant 0 : i32
    %ne3A_4 = arith.cmpi ne, %rem3A, %ne3A : i32
    %lt3A = arith.constant 0 : i32
    %lt3A_5 = arith.cmpi slt, %rem3A, %lt3A : i32
    %lt3A_6 = arith.constant 0 : i32
    %lt3A_7 = arith.cmpi slt, %select_n3A, %lt3A_6 : i32
    %ne3A_8 = arith.xori %lt3A_5, %lt3A_7 : i1
    %and3A = arith.andi %ne3A_8, %ne3A_4 : i1
    %add3A_9 = arith.addi %rem3A, %select_n3A : i32
    %select_n3A_10 = arith.select %and3A, %add3A_9, %rem3A : i32
    %c0_i32 = arith.constant 0 : i32
    %c0_i32_11 = arith.constant 0 : i32
    return %arg0, %select_n3A_10, %c0_i32 : i32, i32, i32
  }
  func.func @transform_2(%arg0: i32, %arg1: i32) -> (i32, i32, i32) {
    %c0_i32 = arith.constant 0 : i32
    %c0_i32_0 = arith.constant 0 : i32
    return %arg0, %arg1, %c0_i32 : i32, i32, i32
  }
}

module attributes {stable_mosaic.version = 14 : i64} {
  func.func @_comb_body(%arg0: i32, %arg1: i32, %arg2: memref<1x16x256x128xf32, #tpu.memory_space<vmem>>, %arg3: memref<1x16x256x128xf32, #tpu.memory_space<vmem>>, %arg4: memref<16x64x1024xf32, #tpu.memory_space<vmem>>, %arg5: memref<1x1024xf32, #tpu.memory_space<vmem>>, %arg6: memref<1x256x1024xf32, #tpu.memory_space<vmem>>) attributes {dimension_semantics = [#tpu.dimension_semantics<arbitrary>, #tpu.dimension_semantics<arbitrary>], iteration_bounds = array<i64: 2, 8>, scalar_prefetch = 0 : i64, scratch_operands = 0 : i64, tpu.core_type = #tpu.core_type<tc>, window_params = [{transform_indices = @transform_0, window_bounds = array<i64: 1, 16, 256, 128>}, {transform_indices = @transform_1, window_bounds = array<i64: 1, 16, 256, 128>}, {pipeline_mode = #tpu.pipeline_mode<synchronous>, transform_indices = @transform_2, window_bounds = array<i64: 16, 64, 1024>}, {pipeline_mode = #tpu.pipeline_mode<synchronous>, transform_indices = @transform_3, window_bounds = array<i64: 1, 1024>}, {transform_indices = @transform_4, window_bounds = array<i64: 1, 256, 1024>}]} {
    %get3A = arith.constant 0 : index
    %get3A_0 = arith.constant 0 : index
    %get3A_1 = vector.load %arg5[%get3A, %get3A_0] : memref<1x1024xf32, #tpu.memory_space<vmem>>, vector<1x1024xf32>
    %broadcast_in_dim3A = vector.shape_cast %get3A_1 : vector<1x1024xf32> to vector<1x1024xf32>
    %broadcast_in_dim3A_2 = vector.broadcast %broadcast_in_dim3A : vector<1x1024xf32> to vector<256x1024xf32>
    %get3A_3 = arith.constant 0 : index
    %get3A_4 = arith.constant 0 : index
    %get3A_5 = arith.constant 0 : index
    %get3A_6 = arith.constant 0 : index
    %get3A_7 = vector.load %arg2[%get3A_3, %get3A_4, %get3A_5, %get3A_6] : memref<1x16x256x128xf32, #tpu.memory_space<vmem>>, vector<1x1x256x128xf32>
    %get3A_8 = vector.shape_cast %get3A_7 : vector<1x1x256x128xf32> to vector<256x128xf32>
    %get3A_9 = arith.constant 0 : index
    %get3A_10 = arith.constant 0 : index
    %get3A_11 = arith.constant 0 : index
    %get3A_12 = arith.constant 0 : index
    %get3A_13 = vector.load %arg3[%get3A_9, %get3A_10, %get3A_11, %get3A_12] : memref<1x16x256x128xf32, #tpu.memory_space<vmem>>, vector<1x1x256x128xf32>
    %get3A_14 = vector.shape_cast %get3A_13 : vector<1x1x256x128xf32> to vector<256x128xf32>
    %slice3A = vector.extract_strided_slice %get3A_8 {offsets = [0, 0], sizes = [256, 64], strides = [1, 1]} : vector<256x128xf32> to vector<256x64xf32>
    %slice3A_15 = vector.extract_strided_slice %get3A_8 {offsets = [0, 64], sizes = [256, 1], strides = [1, 1]} : vector<256x128xf32> to vector<256x1xf32>
    %slice3A_16 = vector.extract_strided_slice %get3A_14 {offsets = [0, 0], sizes = [256, 64], strides = [1, 1]} : vector<256x128xf32> to vector<256x64xf32>
    %slice3A_17 = vector.extract_strided_slice %get3A_14 {offsets = [0, 64], sizes = [256, 1], strides = [1, 1]} : vector<256x128xf32> to vector<256x1xf32>
    %max3A = arith.maximumf %slice3A_15, %slice3A_17 : vector<256x1xf32>
    %sub3A = arith.subf %slice3A_15, %max3A : vector<256x1xf32>
    %exp3A = math.exp %sub3A : vector<256x1xf32>
    %sub3A_18 = arith.subf %slice3A_17, %max3A : vector<256x1xf32>
    %exp3A_19 = math.exp %sub3A_18 : vector<256x1xf32>
    %mul3A = vector.broadcast %exp3A : vector<256x1xf32> to vector<256x64xf32>
    %mul3A_20 = arith.mulf %slice3A, %mul3A : vector<256x64xf32>
    %mul3A_21 = vector.broadcast %exp3A_19 : vector<256x1xf32> to vector<256x64xf32>
    %mul3A_22 = arith.mulf %slice3A_16, %mul3A_21 : vector<256x64xf32>
    %add3A = arith.addf %mul3A_20, %mul3A_22 : vector<256x64xf32>
    %add3A_23 = arith.addf %exp3A, %exp3A_19 : vector<256x1xf32>
    %div3A = vector.broadcast %add3A_23 : vector<256x1xf32> to vector<256x64xf32>
    %div3A_24 = arith.divf %add3A, %div3A : vector<256x64xf32>
    %get3A_25 = arith.constant 0 : index
    %get3A_26 = arith.constant 0 : index
    %get3A_27 = arith.constant 0 : index
    %get3A_28 = vector.load %arg4[%get3A_25, %get3A_26, %get3A_27] : memref<16x64x1024xf32, #tpu.memory_space<vmem>>, vector<1x64x1024xf32>
    %get3A_29 = vector.shape_cast %get3A_28 : vector<1x64x1024xf32> to vector<64x1024xf32>
    %dot_general3A = arith.constant dense<0.000000e+00> : vector<256x1024xf32>
    %dot_general3A_30 = tpu.matmul %div3A_24, %get3A_29, %dot_general3A {dimension_numbers = #tpu.dot_dimension_numbers<[1], [0], [0], [1], [0, 0, 1, 1], [], []>, transpose_lhs_hint = false} : vector<256x64xf32>, vector<64x1024xf32>, vector<256x1024xf32> -> vector<256x1024xf32>
    %add3A_31 = arith.addf %broadcast_in_dim3A_2, %dot_general3A_30 : vector<256x1024xf32>
    %get3A_32 = arith.constant 0 : index
    %get3A_33 = arith.constant 1 : index
    %get3A_34 = arith.constant 0 : index
    %get3A_35 = arith.constant 0 : index
    %get3A_36 = vector.load %arg2[%get3A_32, %get3A_33, %get3A_34, %get3A_35] : memref<1x16x256x128xf32, #tpu.memory_space<vmem>>, vector<1x1x256x128xf32>
    %get3A_37 = vector.shape_cast %get3A_36 : vector<1x1x256x128xf32> to vector<256x128xf32>
    %get3A_38 = arith.constant 0 : index
    %get3A_39 = arith.constant 1 : index
    %get3A_40 = arith.constant 0 : index
    %get3A_41 = arith.constant 0 : index
    %get3A_42 = vector.load %arg3[%get3A_38, %get3A_39, %get3A_40, %get3A_41] : memref<1x16x256x128xf32, #tpu.memory_space<vmem>>, vector<1x1x256x128xf32>
    %get3A_43 = vector.shape_cast %get3A_42 : vector<1x1x256x128xf32> to vector<256x128xf32>
    %slice3A_44 = vector.extract_strided_slice %get3A_37 {offsets = [0, 0], sizes = [256, 64], strides = [1, 1]} : vector<256x128xf32> to vector<256x64xf32>
    %slice3A_45 = vector.extract_strided_slice %get3A_37 {offsets = [0, 64], sizes = [256, 1], strides = [1, 1]} : vector<256x128xf32> to vector<256x1xf32>
    %slice3A_46 = vector.extract_strided_slice %get3A_43 {offsets = [0, 0], sizes = [256, 64], strides = [1, 1]} : vector<256x128xf32> to vector<256x64xf32>
    %slice3A_47 = vector.extract_strided_slice %get3A_43 {offsets = [0, 64], sizes = [256, 1], strides = [1, 1]} : vector<256x128xf32> to vector<256x1xf32>
    %max3A_48 = arith.maximumf %slice3A_45, %slice3A_47 : vector<256x1xf32>
    %sub3A_49 = arith.subf %slice3A_45, %max3A_48 : vector<256x1xf32>
    %exp3A_50 = math.exp %sub3A_49 : vector<256x1xf32>
    %sub3A_51 = arith.subf %slice3A_47, %max3A_48 : vector<256x1xf32>
    %exp3A_52 = math.exp %sub3A_51 : vector<256x1xf32>
    %mul3A_53 = vector.broadcast %exp3A_50 : vector<256x1xf32> to vector<256x64xf32>
    %mul3A_54 = arith.mulf %slice3A_44, %mul3A_53 : vector<256x64xf32>
    %mul3A_55 = vector.broadcast %exp3A_52 : vector<256x1xf32> to vector<256x64xf32>
    %mul3A_56 = arith.mulf %slice3A_46, %mul3A_55 : vector<256x64xf32>
    %add3A_57 = arith.addf %mul3A_54, %mul3A_56 : vector<256x64xf32>
    %add3A_58 = arith.addf %exp3A_50, %exp3A_52 : vector<256x1xf32>
    %div3A_59 = vector.broadcast %add3A_58 : vector<256x1xf32> to vector<256x64xf32>
    %div3A_60 = arith.divf %add3A_57, %div3A_59 : vector<256x64xf32>
    %get3A_61 = arith.constant 1 : index
    %get3A_62 = arith.constant 0 : index
    %get3A_63 = arith.constant 0 : index
    %get3A_64 = vector.load %arg4[%get3A_61, %get3A_62, %get3A_63] : memref<16x64x1024xf32, #tpu.memory_space<vmem>>, vector<1x64x1024xf32>
    %get3A_65 = vector.shape_cast %get3A_64 : vector<1x64x1024xf32> to vector<64x1024xf32>
    %dot_general3A_66 = arith.constant dense<0.000000e+00> : vector<256x1024xf32>
    %dot_general3A_67 = tpu.matmul %div3A_60, %get3A_65, %dot_general3A_66 {dimension_numbers = #tpu.dot_dimension_numbers<[1], [0], [0], [1], [0, 0, 1, 1], [], []>, transpose_lhs_hint = false} : vector<256x64xf32>, vector<64x1024xf32>, vector<256x1024xf32> -> vector<256x1024xf32>
    %add3A_68 = arith.addf %add3A_31, %dot_general3A_67 : vector<256x1024xf32>
    %get3A_69 = arith.constant 0 : index
    %get3A_70 = arith.constant 2 : index
    %get3A_71 = arith.constant 0 : index
    %get3A_72 = arith.constant 0 : index
    %get3A_73 = vector.load %arg2[%get3A_69, %get3A_70, %get3A_71, %get3A_72] : memref<1x16x256x128xf32, #tpu.memory_space<vmem>>, vector<1x1x256x128xf32>
    %get3A_74 = vector.shape_cast %get3A_73 : vector<1x1x256x128xf32> to vector<256x128xf32>
    %get3A_75 = arith.constant 0 : index
    %get3A_76 = arith.constant 2 : index
    %get3A_77 = arith.constant 0 : index
    %get3A_78 = arith.constant 0 : index
    %get3A_79 = vector.load %arg3[%get3A_75, %get3A_76, %get3A_77, %get3A_78] : memref<1x16x256x128xf32, #tpu.memory_space<vmem>>, vector<1x1x256x128xf32>
    %get3A_80 = vector.shape_cast %get3A_79 : vector<1x1x256x128xf32> to vector<256x128xf32>
    %slice3A_81 = vector.extract_strided_slice %get3A_74 {offsets = [0, 0], sizes = [256, 64], strides = [1, 1]} : vector<256x128xf32> to vector<256x64xf32>
    %slice3A_82 = vector.extract_strided_slice %get3A_74 {offsets = [0, 64], sizes = [256, 1], strides = [1, 1]} : vector<256x128xf32> to vector<256x1xf32>
    %slice3A_83 = vector.extract_strided_slice %get3A_80 {offsets = [0, 0], sizes = [256, 64], strides = [1, 1]} : vector<256x128xf32> to vector<256x64xf32>
    %slice3A_84 = vector.extract_strided_slice %get3A_80 {offsets = [0, 64], sizes = [256, 1], strides = [1, 1]} : vector<256x128xf32> to vector<256x1xf32>
    %max3A_85 = arith.maximumf %slice3A_82, %slice3A_84 : vector<256x1xf32>
    %sub3A_86 = arith.subf %slice3A_82, %max3A_85 : vector<256x1xf32>
    %exp3A_87 = math.exp %sub3A_86 : vector<256x1xf32>
    %sub3A_88 = arith.subf %slice3A_84, %max3A_85 : vector<256x1xf32>
    %exp3A_89 = math.exp %sub3A_88 : vector<256x1xf32>
    %mul3A_90 = vector.broadcast %exp3A_87 : vector<256x1xf32> to vector<256x64xf32>
    %mul3A_91 = arith.mulf %slice3A_81, %mul3A_90 : vector<256x64xf32>
    %mul3A_92 = vector.broadcast %exp3A_89 : vector<256x1xf32> to vector<256x64xf32>
    %mul3A_93 = arith.mulf %slice3A_83, %mul3A_92 : vector<256x64xf32>
    %add3A_94 = arith.addf %mul3A_91, %mul3A_93 : vector<256x64xf32>
    %add3A_95 = arith.addf %exp3A_87, %exp3A_89 : vector<256x1xf32>
    %div3A_96 = vector.broadcast %add3A_95 : vector<256x1xf32> to vector<256x64xf32>
    %div3A_97 = arith.divf %add3A_94, %div3A_96 : vector<256x64xf32>
    %get3A_98 = arith.constant 2 : index
    %get3A_99 = arith.constant 0 : index
    %get3A_100 = arith.constant 0 : index
    %get3A_101 = vector.load %arg4[%get3A_98, %get3A_99, %get3A_100] : memref<16x64x1024xf32, #tpu.memory_space<vmem>>, vector<1x64x1024xf32>
    %get3A_102 = vector.shape_cast %get3A_101 : vector<1x64x1024xf32> to vector<64x1024xf32>
    %dot_general3A_103 = arith.constant dense<0.000000e+00> : vector<256x1024xf32>
    %dot_general3A_104 = tpu.matmul %div3A_97, %get3A_102, %dot_general3A_103 {dimension_numbers = #tpu.dot_dimension_numbers<[1], [0], [0], [1], [0, 0, 1, 1], [], []>, transpose_lhs_hint = false} : vector<256x64xf32>, vector<64x1024xf32>, vector<256x1024xf32> -> vector<256x1024xf32>
    %add3A_105 = arith.addf %add3A_68, %dot_general3A_104 : vector<256x1024xf32>
    %get3A_106 = arith.constant 0 : index
    %get3A_107 = arith.constant 3 : index
    %get3A_108 = arith.constant 0 : index
    %get3A_109 = arith.constant 0 : index
    %get3A_110 = vector.load %arg2[%get3A_106, %get3A_107, %get3A_108, %get3A_109] : memref<1x16x256x128xf32, #tpu.memory_space<vmem>>, vector<1x1x256x128xf32>
    %get3A_111 = vector.shape_cast %get3A_110 : vector<1x1x256x128xf32> to vector<256x128xf32>
    %get3A_112 = arith.constant 0 : index
    %get3A_113 = arith.constant 3 : index
    %get3A_114 = arith.constant 0 : index
    %get3A_115 = arith.constant 0 : index
    %get3A_116 = vector.load %arg3[%get3A_112, %get3A_113, %get3A_114, %get3A_115] : memref<1x16x256x128xf32, #tpu.memory_space<vmem>>, vector<1x1x256x128xf32>
    %get3A_117 = vector.shape_cast %get3A_116 : vector<1x1x256x128xf32> to vector<256x128xf32>
    %slice3A_118 = vector.extract_strided_slice %get3A_111 {offsets = [0, 0], sizes = [256, 64], strides = [1, 1]} : vector<256x128xf32> to vector<256x64xf32>
    %slice3A_119 = vector.extract_strided_slice %get3A_111 {offsets = [0, 64], sizes = [256, 1], strides = [1, 1]} : vector<256x128xf32> to vector<256x1xf32>
    %slice3A_120 = vector.extract_strided_slice %get3A_117 {offsets = [0, 0], sizes = [256, 64], strides = [1, 1]} : vector<256x128xf32> to vector<256x64xf32>
    %slice3A_121 = vector.extract_strided_slice %get3A_117 {offsets = [0, 64], sizes = [256, 1], strides = [1, 1]} : vector<256x128xf32> to vector<256x1xf32>
    %max3A_122 = arith.maximumf %slice3A_119, %slice3A_121 : vector<256x1xf32>
    %sub3A_123 = arith.subf %slice3A_119, %max3A_122 : vector<256x1xf32>
    %exp3A_124 = math.exp %sub3A_123 : vector<256x1xf32>
    %sub3A_125 = arith.subf %slice3A_121, %max3A_122 : vector<256x1xf32>
    %exp3A_126 = math.exp %sub3A_125 : vector<256x1xf32>
    %mul3A_127 = vector.broadcast %exp3A_124 : vector<256x1xf32> to vector<256x64xf32>
    %mul3A_128 = arith.mulf %slice3A_118, %mul3A_127 : vector<256x64xf32>
    %mul3A_129 = vector.broadcast %exp3A_126 : vector<256x1xf32> to vector<256x64xf32>
    %mul3A_130 = arith.mulf %slice3A_120, %mul3A_129 : vector<256x64xf32>
    %add3A_131 = arith.addf %mul3A_128, %mul3A_130 : vector<256x64xf32>
    %add3A_132 = arith.addf %exp3A_124, %exp3A_126 : vector<256x1xf32>
    %div3A_133 = vector.broadcast %add3A_132 : vector<256x1xf32> to vector<256x64xf32>
    %div3A_134 = arith.divf %add3A_131, %div3A_133 : vector<256x64xf32>
    %get3A_135 = arith.constant 3 : index
    %get3A_136 = arith.constant 0 : index
    %get3A_137 = arith.constant 0 : index
    %get3A_138 = vector.load %arg4[%get3A_135, %get3A_136, %get3A_137] : memref<16x64x1024xf32, #tpu.memory_space<vmem>>, vector<1x64x1024xf32>
    %get3A_139 = vector.shape_cast %get3A_138 : vector<1x64x1024xf32> to vector<64x1024xf32>
    %dot_general3A_140 = arith.constant dense<0.000000e+00> : vector<256x1024xf32>
    %dot_general3A_141 = tpu.matmul %div3A_134, %get3A_139, %dot_general3A_140 {dimension_numbers = #tpu.dot_dimension_numbers<[1], [0], [0], [1], [0, 0, 1, 1], [], []>, transpose_lhs_hint = false} : vector<256x64xf32>, vector<64x1024xf32>, vector<256x1024xf32> -> vector<256x1024xf32>
    %add3A_142 = arith.addf %add3A_105, %dot_general3A_141 : vector<256x1024xf32>
    %get3A_143 = arith.constant 0 : index
    %get3A_144 = arith.constant 4 : index
    %get3A_145 = arith.constant 0 : index
    %get3A_146 = arith.constant 0 : index
    %get3A_147 = vector.load %arg2[%get3A_143, %get3A_144, %get3A_145, %get3A_146] : memref<1x16x256x128xf32, #tpu.memory_space<vmem>>, vector<1x1x256x128xf32>
    %get3A_148 = vector.shape_cast %get3A_147 : vector<1x1x256x128xf32> to vector<256x128xf32>
    %get3A_149 = arith.constant 0 : index
    %get3A_150 = arith.constant 4 : index
    %get3A_151 = arith.constant 0 : index
    %get3A_152 = arith.constant 0 : index
    %get3A_153 = vector.load %arg3[%get3A_149, %get3A_150, %get3A_151, %get3A_152] : memref<1x16x256x128xf32, #tpu.memory_space<vmem>>, vector<1x1x256x128xf32>
    %get3A_154 = vector.shape_cast %get3A_153 : vector<1x1x256x128xf32> to vector<256x128xf32>
    %slice3A_155 = vector.extract_strided_slice %get3A_148 {offsets = [0, 0], sizes = [256, 64], strides = [1, 1]} : vector<256x128xf32> to vector<256x64xf32>
    %slice3A_156 = vector.extract_strided_slice %get3A_148 {offsets = [0, 64], sizes = [256, 1], strides = [1, 1]} : vector<256x128xf32> to vector<256x1xf32>
    %slice3A_157 = vector.extract_strided_slice %get3A_154 {offsets = [0, 0], sizes = [256, 64], strides = [1, 1]} : vector<256x128xf32> to vector<256x64xf32>
    %slice3A_158 = vector.extract_strided_slice %get3A_154 {offsets = [0, 64], sizes = [256, 1], strides = [1, 1]} : vector<256x128xf32> to vector<256x1xf32>
    %max3A_159 = arith.maximumf %slice3A_156, %slice3A_158 : vector<256x1xf32>
    %sub3A_160 = arith.subf %slice3A_156, %max3A_159 : vector<256x1xf32>
    %exp3A_161 = math.exp %sub3A_160 : vector<256x1xf32>
    %sub3A_162 = arith.subf %slice3A_158, %max3A_159 : vector<256x1xf32>
    %exp3A_163 = math.exp %sub3A_162 : vector<256x1xf32>
    %mul3A_164 = vector.broadcast %exp3A_161 : vector<256x1xf32> to vector<256x64xf32>
    %mul3A_165 = arith.mulf %slice3A_155, %mul3A_164 : vector<256x64xf32>
    %mul3A_166 = vector.broadcast %exp3A_163 : vector<256x1xf32> to vector<256x64xf32>
    %mul3A_167 = arith.mulf %slice3A_157, %mul3A_166 : vector<256x64xf32>
    %add3A_168 = arith.addf %mul3A_165, %mul3A_167 : vector<256x64xf32>
    %add3A_169 = arith.addf %exp3A_161, %exp3A_163 : vector<256x1xf32>
    %div3A_170 = vector.broadcast %add3A_169 : vector<256x1xf32> to vector<256x64xf32>
    %div3A_171 = arith.divf %add3A_168, %div3A_170 : vector<256x64xf32>
    %get3A_172 = arith.constant 4 : index
    %get3A_173 = arith.constant 0 : index
    %get3A_174 = arith.constant 0 : index
    %get3A_175 = vector.load %arg4[%get3A_172, %get3A_173, %get3A_174] : memref<16x64x1024xf32, #tpu.memory_space<vmem>>, vector<1x64x1024xf32>
    %get3A_176 = vector.shape_cast %get3A_175 : vector<1x64x1024xf32> to vector<64x1024xf32>
    %dot_general3A_177 = arith.constant dense<0.000000e+00> : vector<256x1024xf32>
    %dot_general3A_178 = tpu.matmul %div3A_171, %get3A_176, %dot_general3A_177 {dimension_numbers = #tpu.dot_dimension_numbers<[1], [0], [0], [1], [0, 0, 1, 1], [], []>, transpose_lhs_hint = false} : vector<256x64xf32>, vector<64x1024xf32>, vector<256x1024xf32> -> vector<256x1024xf32>
    %add3A_179 = arith.addf %add3A_142, %dot_general3A_178 : vector<256x1024xf32>
    %get3A_180 = arith.constant 0 : index
    %get3A_181 = arith.constant 5 : index
    %get3A_182 = arith.constant 0 : index
    %get3A_183 = arith.constant 0 : index
    %get3A_184 = vector.load %arg2[%get3A_180, %get3A_181, %get3A_182, %get3A_183] : memref<1x16x256x128xf32, #tpu.memory_space<vmem>>, vector<1x1x256x128xf32>
    %get3A_185 = vector.shape_cast %get3A_184 : vector<1x1x256x128xf32> to vector<256x128xf32>
    %get3A_186 = arith.constant 0 : index
    %get3A_187 = arith.constant 5 : index
    %get3A_188 = arith.constant 0 : index
    %get3A_189 = arith.constant 0 : index
    %get3A_190 = vector.load %arg3[%get3A_186, %get3A_187, %get3A_188, %get3A_189] : memref<1x16x256x128xf32, #tpu.memory_space<vmem>>, vector<1x1x256x128xf32>
    %get3A_191 = vector.shape_cast %get3A_190 : vector<1x1x256x128xf32> to vector<256x128xf32>
    %slice3A_192 = vector.extract_strided_slice %get3A_185 {offsets = [0, 0], sizes = [256, 64], strides = [1, 1]} : vector<256x128xf32> to vector<256x64xf32>
    %slice3A_193 = vector.extract_strided_slice %get3A_185 {offsets = [0, 64], sizes = [256, 1], strides = [1, 1]} : vector<256x128xf32> to vector<256x1xf32>
    %slice3A_194 = vector.extract_strided_slice %get3A_191 {offsets = [0, 0], sizes = [256, 64], strides = [1, 1]} : vector<256x128xf32> to vector<256x64xf32>
    %slice3A_195 = vector.extract_strided_slice %get3A_191 {offsets = [0, 64], sizes = [256, 1], strides = [1, 1]} : vector<256x128xf32> to vector<256x1xf32>
    %max3A_196 = arith.maximumf %slice3A_193, %slice3A_195 : vector<256x1xf32>
    %sub3A_197 = arith.subf %slice3A_193, %max3A_196 : vector<256x1xf32>
    %exp3A_198 = math.exp %sub3A_197 : vector<256x1xf32>
    %sub3A_199 = arith.subf %slice3A_195, %max3A_196 : vector<256x1xf32>
    %exp3A_200 = math.exp %sub3A_199 : vector<256x1xf32>
    %mul3A_201 = vector.broadcast %exp3A_198 : vector<256x1xf32> to vector<256x64xf32>
    %mul3A_202 = arith.mulf %slice3A_192, %mul3A_201 : vector<256x64xf32>
    %mul3A_203 = vector.broadcast %exp3A_200 : vector<256x1xf32> to vector<256x64xf32>
    %mul3A_204 = arith.mulf %slice3A_194, %mul3A_203 : vector<256x64xf32>
    %add3A_205 = arith.addf %mul3A_202, %mul3A_204 : vector<256x64xf32>
    %add3A_206 = arith.addf %exp3A_198, %exp3A_200 : vector<256x1xf32>
    %div3A_207 = vector.broadcast %add3A_206 : vector<256x1xf32> to vector<256x64xf32>
    %div3A_208 = arith.divf %add3A_205, %div3A_207 : vector<256x64xf32>
    %get3A_209 = arith.constant 5 : index
    %get3A_210 = arith.constant 0 : index
    %get3A_211 = arith.constant 0 : index
    %get3A_212 = vector.load %arg4[%get3A_209, %get3A_210, %get3A_211] : memref<16x64x1024xf32, #tpu.memory_space<vmem>>, vector<1x64x1024xf32>
    %get3A_213 = vector.shape_cast %get3A_212 : vector<1x64x1024xf32> to vector<64x1024xf32>
    %dot_general3A_214 = arith.constant dense<0.000000e+00> : vector<256x1024xf32>
    %dot_general3A_215 = tpu.matmul %div3A_208, %get3A_213, %dot_general3A_214 {dimension_numbers = #tpu.dot_dimension_numbers<[1], [0], [0], [1], [0, 0, 1, 1], [], []>, transpose_lhs_hint = false} : vector<256x64xf32>, vector<64x1024xf32>, vector<256x1024xf32> -> vector<256x1024xf32>
    %add3A_216 = arith.addf %add3A_179, %dot_general3A_215 : vector<256x1024xf32>
    %get3A_217 = arith.constant 0 : index
    %get3A_218 = arith.constant 6 : index
    %get3A_219 = arith.constant 0 : index
    %get3A_220 = arith.constant 0 : index
    %get3A_221 = vector.load %arg2[%get3A_217, %get3A_218, %get3A_219, %get3A_220] : memref<1x16x256x128xf32, #tpu.memory_space<vmem>>, vector<1x1x256x128xf32>
    %get3A_222 = vector.shape_cast %get3A_221 : vector<1x1x256x128xf32> to vector<256x128xf32>
    %get3A_223 = arith.constant 0 : index
    %get3A_224 = arith.constant 6 : index
    %get3A_225 = arith.constant 0 : index
    %get3A_226 = arith.constant 0 : index
    %get3A_227 = vector.load %arg3[%get3A_223, %get3A_224, %get3A_225, %get3A_226] : memref<1x16x256x128xf32, #tpu.memory_space<vmem>>, vector<1x1x256x128xf32>
    %get3A_228 = vector.shape_cast %get3A_227 : vector<1x1x256x128xf32> to vector<256x128xf32>
    %slice3A_229 = vector.extract_strided_slice %get3A_222 {offsets = [0, 0], sizes = [256, 64], strides = [1, 1]} : vector<256x128xf32> to vector<256x64xf32>
    %slice3A_230 = vector.extract_strided_slice %get3A_222 {offsets = [0, 64], sizes = [256, 1], strides = [1, 1]} : vector<256x128xf32> to vector<256x1xf32>
    %slice3A_231 = vector.extract_strided_slice %get3A_228 {offsets = [0, 0], sizes = [256, 64], strides = [1, 1]} : vector<256x128xf32> to vector<256x64xf32>
    %slice3A_232 = vector.extract_strided_slice %get3A_228 {offsets = [0, 64], sizes = [256, 1], strides = [1, 1]} : vector<256x128xf32> to vector<256x1xf32>
    %max3A_233 = arith.maximumf %slice3A_230, %slice3A_232 : vector<256x1xf32>
    %sub3A_234 = arith.subf %slice3A_230, %max3A_233 : vector<256x1xf32>
    %exp3A_235 = math.exp %sub3A_234 : vector<256x1xf32>
    %sub3A_236 = arith.subf %slice3A_232, %max3A_233 : vector<256x1xf32>
    %exp3A_237 = math.exp %sub3A_236 : vector<256x1xf32>
    %mul3A_238 = vector.broadcast %exp3A_235 : vector<256x1xf32> to vector<256x64xf32>
    %mul3A_239 = arith.mulf %slice3A_229, %mul3A_238 : vector<256x64xf32>
    %mul3A_240 = vector.broadcast %exp3A_237 : vector<256x1xf32> to vector<256x64xf32>
    %mul3A_241 = arith.mulf %slice3A_231, %mul3A_240 : vector<256x64xf32>
    %add3A_242 = arith.addf %mul3A_239, %mul3A_241 : vector<256x64xf32>
    %add3A_243 = arith.addf %exp3A_235, %exp3A_237 : vector<256x1xf32>
    %div3A_244 = vector.broadcast %add3A_243 : vector<256x1xf32> to vector<256x64xf32>
    %div3A_245 = arith.divf %add3A_242, %div3A_244 : vector<256x64xf32>
    %get3A_246 = arith.constant 6 : index
    %get3A_247 = arith.constant 0 : index
    %get3A_248 = arith.constant 0 : index
    %get3A_249 = vector.load %arg4[%get3A_246, %get3A_247, %get3A_248] : memref<16x64x1024xf32, #tpu.memory_space<vmem>>, vector<1x64x1024xf32>
    %get3A_250 = vector.shape_cast %get3A_249 : vector<1x64x1024xf32> to vector<64x1024xf32>
    %dot_general3A_251 = arith.constant dense<0.000000e+00> : vector<256x1024xf32>
    %dot_general3A_252 = tpu.matmul %div3A_245, %get3A_250, %dot_general3A_251 {dimension_numbers = #tpu.dot_dimension_numbers<[1], [0], [0], [1], [0, 0, 1, 1], [], []>, transpose_lhs_hint = false} : vector<256x64xf32>, vector<64x1024xf32>, vector<256x1024xf32> -> vector<256x1024xf32>
    %add3A_253 = arith.addf %add3A_216, %dot_general3A_252 : vector<256x1024xf32>
    %get3A_254 = arith.constant 0 : index
    %get3A_255 = arith.constant 7 : index
    %get3A_256 = arith.constant 0 : index
    %get3A_257 = arith.constant 0 : index
    %get3A_258 = vector.load %arg2[%get3A_254, %get3A_255, %get3A_256, %get3A_257] : memref<1x16x256x128xf32, #tpu.memory_space<vmem>>, vector<1x1x256x128xf32>
    %get3A_259 = vector.shape_cast %get3A_258 : vector<1x1x256x128xf32> to vector<256x128xf32>
    %get3A_260 = arith.constant 0 : index
    %get3A_261 = arith.constant 7 : index
    %get3A_262 = arith.constant 0 : index
    %get3A_263 = arith.constant 0 : index
    %get3A_264 = vector.load %arg3[%get3A_260, %get3A_261, %get3A_262, %get3A_263] : memref<1x16x256x128xf32, #tpu.memory_space<vmem>>, vector<1x1x256x128xf32>
    %get3A_265 = vector.shape_cast %get3A_264 : vector<1x1x256x128xf32> to vector<256x128xf32>
    %slice3A_266 = vector.extract_strided_slice %get3A_259 {offsets = [0, 0], sizes = [256, 64], strides = [1, 1]} : vector<256x128xf32> to vector<256x64xf32>
    %slice3A_267 = vector.extract_strided_slice %get3A_259 {offsets = [0, 64], sizes = [256, 1], strides = [1, 1]} : vector<256x128xf32> to vector<256x1xf32>
    %slice3A_268 = vector.extract_strided_slice %get3A_265 {offsets = [0, 0], sizes = [256, 64], strides = [1, 1]} : vector<256x128xf32> to vector<256x64xf32>
    %slice3A_269 = vector.extract_strided_slice %get3A_265 {offsets = [0, 64], sizes = [256, 1], strides = [1, 1]} : vector<256x128xf32> to vector<256x1xf32>
    %max3A_270 = arith.maximumf %slice3A_267, %slice3A_269 : vector<256x1xf32>
    %sub3A_271 = arith.subf %slice3A_267, %max3A_270 : vector<256x1xf32>
    %exp3A_272 = math.exp %sub3A_271 : vector<256x1xf32>
    %sub3A_273 = arith.subf %slice3A_269, %max3A_270 : vector<256x1xf32>
    %exp3A_274 = math.exp %sub3A_273 : vector<256x1xf32>
    %mul3A_275 = vector.broadcast %exp3A_272 : vector<256x1xf32> to vector<256x64xf32>
    %mul3A_276 = arith.mulf %slice3A_266, %mul3A_275 : vector<256x64xf32>
    %mul3A_277 = vector.broadcast %exp3A_274 : vector<256x1xf32> to vector<256x64xf32>
    %mul3A_278 = arith.mulf %slice3A_268, %mul3A_277 : vector<256x64xf32>
    %add3A_279 = arith.addf %mul3A_276, %mul3A_278 : vector<256x64xf32>
    %add3A_280 = arith.addf %exp3A_272, %exp3A_274 : vector<256x1xf32>
    %div3A_281 = vector.broadcast %add3A_280 : vector<256x1xf32> to vector<256x64xf32>
    %div3A_282 = arith.divf %add3A_279, %div3A_281 : vector<256x64xf32>
    %get3A_283 = arith.constant 7 : index
    %get3A_284 = arith.constant 0 : index
    %get3A_285 = arith.constant 0 : index
    %get3A_286 = vector.load %arg4[%get3A_283, %get3A_284, %get3A_285] : memref<16x64x1024xf32, #tpu.memory_space<vmem>>, vector<1x64x1024xf32>
    %get3A_287 = vector.shape_cast %get3A_286 : vector<1x64x1024xf32> to vector<64x1024xf32>
    %dot_general3A_288 = arith.constant dense<0.000000e+00> : vector<256x1024xf32>
    %dot_general3A_289 = tpu.matmul %div3A_282, %get3A_287, %dot_general3A_288 {dimension_numbers = #tpu.dot_dimension_numbers<[1], [0], [0], [1], [0, 0, 1, 1], [], []>, transpose_lhs_hint = false} : vector<256x64xf32>, vector<64x1024xf32>, vector<256x1024xf32> -> vector<256x1024xf32>
    %add3A_290 = arith.addf %add3A_253, %dot_general3A_289 : vector<256x1024xf32>
    %get3A_291 = arith.constant 0 : index
    %get3A_292 = arith.constant 8 : index
    %get3A_293 = arith.constant 0 : index
    %get3A_294 = arith.constant 0 : index
    %get3A_295 = vector.load %arg2[%get3A_291, %get3A_292, %get3A_293, %get3A_294] : memref<1x16x256x128xf32, #tpu.memory_space<vmem>>, vector<1x1x256x128xf32>
    %get3A_296 = vector.shape_cast %get3A_295 : vector<1x1x256x128xf32> to vector<256x128xf32>
    %get3A_297 = arith.constant 0 : index
    %get3A_298 = arith.constant 8 : index
    %get3A_299 = arith.constant 0 : index
    %get3A_300 = arith.constant 0 : index
    %get3A_301 = vector.load %arg3[%get3A_297, %get3A_298, %get3A_299, %get3A_300] : memref<1x16x256x128xf32, #tpu.memory_space<vmem>>, vector<1x1x256x128xf32>
    %get3A_302 = vector.shape_cast %get3A_301 : vector<1x1x256x128xf32> to vector<256x128xf32>
    %slice3A_303 = vector.extract_strided_slice %get3A_296 {offsets = [0, 0], sizes = [256, 64], strides = [1, 1]} : vector<256x128xf32> to vector<256x64xf32>
    %slice3A_304 = vector.extract_strided_slice %get3A_296 {offsets = [0, 64], sizes = [256, 1], strides = [1, 1]} : vector<256x128xf32> to vector<256x1xf32>
    %slice3A_305 = vector.extract_strided_slice %get3A_302 {offsets = [0, 0], sizes = [256, 64], strides = [1, 1]} : vector<256x128xf32> to vector<256x64xf32>
    %slice3A_306 = vector.extract_strided_slice %get3A_302 {offsets = [0, 64], sizes = [256, 1], strides = [1, 1]} : vector<256x128xf32> to vector<256x1xf32>
    %max3A_307 = arith.maximumf %slice3A_304, %slice3A_306 : vector<256x1xf32>
    %sub3A_308 = arith.subf %slice3A_304, %max3A_307 : vector<256x1xf32>
    %exp3A_309 = math.exp %sub3A_308 : vector<256x1xf32>
    %sub3A_310 = arith.subf %slice3A_306, %max3A_307 : vector<256x1xf32>
    %exp3A_311 = math.exp %sub3A_310 : vector<256x1xf32>
    %mul3A_312 = vector.broadcast %exp3A_309 : vector<256x1xf32> to vector<256x64xf32>
    %mul3A_313 = arith.mulf %slice3A_303, %mul3A_312 : vector<256x64xf32>
    %mul3A_314 = vector.broadcast %exp3A_311 : vector<256x1xf32> to vector<256x64xf32>
    %mul3A_315 = arith.mulf %slice3A_305, %mul3A_314 : vector<256x64xf32>
    %add3A_316 = arith.addf %mul3A_313, %mul3A_315 : vector<256x64xf32>
    %add3A_317 = arith.addf %exp3A_309, %exp3A_311 : vector<256x1xf32>
    %div3A_318 = vector.broadcast %add3A_317 : vector<256x1xf32> to vector<256x64xf32>
    %div3A_319 = arith.divf %add3A_316, %div3A_318 : vector<256x64xf32>
    %get3A_320 = arith.constant 8 : index
    %get3A_321 = arith.constant 0 : index
    %get3A_322 = arith.constant 0 : index
    %get3A_323 = vector.load %arg4[%get3A_320, %get3A_321, %get3A_322] : memref<16x64x1024xf32, #tpu.memory_space<vmem>>, vector<1x64x1024xf32>
    %get3A_324 = vector.shape_cast %get3A_323 : vector<1x64x1024xf32> to vector<64x1024xf32>
    %dot_general3A_325 = arith.constant dense<0.000000e+00> : vector<256x1024xf32>
    %dot_general3A_326 = tpu.matmul %div3A_319, %get3A_324, %dot_general3A_325 {dimension_numbers = #tpu.dot_dimension_numbers<[1], [0], [0], [1], [0, 0, 1, 1], [], []>, transpose_lhs_hint = false} : vector<256x64xf32>, vector<64x1024xf32>, vector<256x1024xf32> -> vector<256x1024xf32>
    %add3A_327 = arith.addf %add3A_290, %dot_general3A_326 : vector<256x1024xf32>
    %get3A_328 = arith.constant 0 : index
    %get3A_329 = arith.constant 9 : index
    %get3A_330 = arith.constant 0 : index
    %get3A_331 = arith.constant 0 : index
    %get3A_332 = vector.load %arg2[%get3A_328, %get3A_329, %get3A_330, %get3A_331] : memref<1x16x256x128xf32, #tpu.memory_space<vmem>>, vector<1x1x256x128xf32>
    %get3A_333 = vector.shape_cast %get3A_332 : vector<1x1x256x128xf32> to vector<256x128xf32>
    %get3A_334 = arith.constant 0 : index
    %get3A_335 = arith.constant 9 : index
    %get3A_336 = arith.constant 0 : index
    %get3A_337 = arith.constant 0 : index
    %get3A_338 = vector.load %arg3[%get3A_334, %get3A_335, %get3A_336, %get3A_337] : memref<1x16x256x128xf32, #tpu.memory_space<vmem>>, vector<1x1x256x128xf32>
    %get3A_339 = vector.shape_cast %get3A_338 : vector<1x1x256x128xf32> to vector<256x128xf32>
    %slice3A_340 = vector.extract_strided_slice %get3A_333 {offsets = [0, 0], sizes = [256, 64], strides = [1, 1]} : vector<256x128xf32> to vector<256x64xf32>
    %slice3A_341 = vector.extract_strided_slice %get3A_333 {offsets = [0, 64], sizes = [256, 1], strides = [1, 1]} : vector<256x128xf32> to vector<256x1xf32>
    %slice3A_342 = vector.extract_strided_slice %get3A_339 {offsets = [0, 0], sizes = [256, 64], strides = [1, 1]} : vector<256x128xf32> to vector<256x64xf32>
    %slice3A_343 = vector.extract_strided_slice %get3A_339 {offsets = [0, 64], sizes = [256, 1], strides = [1, 1]} : vector<256x128xf32> to vector<256x1xf32>
    %max3A_344 = arith.maximumf %slice3A_341, %slice3A_343 : vector<256x1xf32>
    %sub3A_345 = arith.subf %slice3A_341, %max3A_344 : vector<256x1xf32>
    %exp3A_346 = math.exp %sub3A_345 : vector<256x1xf32>
    %sub3A_347 = arith.subf %slice3A_343, %max3A_344 : vector<256x1xf32>
    %exp3A_348 = math.exp %sub3A_347 : vector<256x1xf32>
    %mul3A_349 = vector.broadcast %exp3A_346 : vector<256x1xf32> to vector<256x64xf32>
    %mul3A_350 = arith.mulf %slice3A_340, %mul3A_349 : vector<256x64xf32>
    %mul3A_351 = vector.broadcast %exp3A_348 : vector<256x1xf32> to vector<256x64xf32>
    %mul3A_352 = arith.mulf %slice3A_342, %mul3A_351 : vector<256x64xf32>
    %add3A_353 = arith.addf %mul3A_350, %mul3A_352 : vector<256x64xf32>
    %add3A_354 = arith.addf %exp3A_346, %exp3A_348 : vector<256x1xf32>
    %div3A_355 = vector.broadcast %add3A_354 : vector<256x1xf32> to vector<256x64xf32>
    %div3A_356 = arith.divf %add3A_353, %div3A_355 : vector<256x64xf32>
    %get3A_357 = arith.constant 9 : index
    %get3A_358 = arith.constant 0 : index
    %get3A_359 = arith.constant 0 : index
    %get3A_360 = vector.load %arg4[%get3A_357, %get3A_358, %get3A_359] : memref<16x64x1024xf32, #tpu.memory_space<vmem>>, vector<1x64x1024xf32>
    %get3A_361 = vector.shape_cast %get3A_360 : vector<1x64x1024xf32> to vector<64x1024xf32>
    %dot_general3A_362 = arith.constant dense<0.000000e+00> : vector<256x1024xf32>
    %dot_general3A_363 = tpu.matmul %div3A_356, %get3A_361, %dot_general3A_362 {dimension_numbers = #tpu.dot_dimension_numbers<[1], [0], [0], [1], [0, 0, 1, 1], [], []>, transpose_lhs_hint = false} : vector<256x64xf32>, vector<64x1024xf32>, vector<256x1024xf32> -> vector<256x1024xf32>
    %add3A_364 = arith.addf %add3A_327, %dot_general3A_363 : vector<256x1024xf32>
    %get3A_365 = arith.constant 0 : index
    %get3A_366 = arith.constant 10 : index
    %get3A_367 = arith.constant 0 : index
    %get3A_368 = arith.constant 0 : index
    %get3A_369 = vector.load %arg2[%get3A_365, %get3A_366, %get3A_367, %get3A_368] : memref<1x16x256x128xf32, #tpu.memory_space<vmem>>, vector<1x1x256x128xf32>
    %get3A_370 = vector.shape_cast %get3A_369 : vector<1x1x256x128xf32> to vector<256x128xf32>
    %get3A_371 = arith.constant 0 : index
    %get3A_372 = arith.constant 10 : index
    %get3A_373 = arith.constant 0 : index
    %get3A_374 = arith.constant 0 : index
    %get3A_375 = vector.load %arg3[%get3A_371, %get3A_372, %get3A_373, %get3A_374] : memref<1x16x256x128xf32, #tpu.memory_space<vmem>>, vector<1x1x256x128xf32>
    %get3A_376 = vector.shape_cast %get3A_375 : vector<1x1x256x128xf32> to vector<256x128xf32>
    %slice3A_377 = vector.extract_strided_slice %get3A_370 {offsets = [0, 0], sizes = [256, 64], strides = [1, 1]} : vector<256x128xf32> to vector<256x64xf32>
    %slice3A_378 = vector.extract_strided_slice %get3A_370 {offsets = [0, 64], sizes = [256, 1], strides = [1, 1]} : vector<256x128xf32> to vector<256x1xf32>
    %slice3A_379 = vector.extract_strided_slice %get3A_376 {offsets = [0, 0], sizes = [256, 64], strides = [1, 1]} : vector<256x128xf32> to vector<256x64xf32>
    %slice3A_380 = vector.extract_strided_slice %get3A_376 {offsets = [0, 64], sizes = [256, 1], strides = [1, 1]} : vector<256x128xf32> to vector<256x1xf32>
    %max3A_381 = arith.maximumf %slice3A_378, %slice3A_380 : vector<256x1xf32>
    %sub3A_382 = arith.subf %slice3A_378, %max3A_381 : vector<256x1xf32>
    %exp3A_383 = math.exp %sub3A_382 : vector<256x1xf32>
    %sub3A_384 = arith.subf %slice3A_380, %max3A_381 : vector<256x1xf32>
    %exp3A_385 = math.exp %sub3A_384 : vector<256x1xf32>
    %mul3A_386 = vector.broadcast %exp3A_383 : vector<256x1xf32> to vector<256x64xf32>
    %mul3A_387 = arith.mulf %slice3A_377, %mul3A_386 : vector<256x64xf32>
    %mul3A_388 = vector.broadcast %exp3A_385 : vector<256x1xf32> to vector<256x64xf32>
    %mul3A_389 = arith.mulf %slice3A_379, %mul3A_388 : vector<256x64xf32>
    %add3A_390 = arith.addf %mul3A_387, %mul3A_389 : vector<256x64xf32>
    %add3A_391 = arith.addf %exp3A_383, %exp3A_385 : vector<256x1xf32>
    %div3A_392 = vector.broadcast %add3A_391 : vector<256x1xf32> to vector<256x64xf32>
    %div3A_393 = arith.divf %add3A_390, %div3A_392 : vector<256x64xf32>
    %get3A_394 = arith.constant 10 : index
    %get3A_395 = arith.constant 0 : index
    %get3A_396 = arith.constant 0 : index
    %get3A_397 = vector.load %arg4[%get3A_394, %get3A_395, %get3A_396] : memref<16x64x1024xf32, #tpu.memory_space<vmem>>, vector<1x64x1024xf32>
    %get3A_398 = vector.shape_cast %get3A_397 : vector<1x64x1024xf32> to vector<64x1024xf32>
    %dot_general3A_399 = arith.constant dense<0.000000e+00> : vector<256x1024xf32>
    %dot_general3A_400 = tpu.matmul %div3A_393, %get3A_398, %dot_general3A_399 {dimension_numbers = #tpu.dot_dimension_numbers<[1], [0], [0], [1], [0, 0, 1, 1], [], []>, transpose_lhs_hint = false} : vector<256x64xf32>, vector<64x1024xf32>, vector<256x1024xf32> -> vector<256x1024xf32>
    %add3A_401 = arith.addf %add3A_364, %dot_general3A_400 : vector<256x1024xf32>
    %get3A_402 = arith.constant 0 : index
    %get3A_403 = arith.constant 11 : index
    %get3A_404 = arith.constant 0 : index
    %get3A_405 = arith.constant 0 : index
    %get3A_406 = vector.load %arg2[%get3A_402, %get3A_403, %get3A_404, %get3A_405] : memref<1x16x256x128xf32, #tpu.memory_space<vmem>>, vector<1x1x256x128xf32>
    %get3A_407 = vector.shape_cast %get3A_406 : vector<1x1x256x128xf32> to vector<256x128xf32>
    %get3A_408 = arith.constant 0 : index
    %get3A_409 = arith.constant 11 : index
    %get3A_410 = arith.constant 0 : index
    %get3A_411 = arith.constant 0 : index
    %get3A_412 = vector.load %arg3[%get3A_408, %get3A_409, %get3A_410, %get3A_411] : memref<1x16x256x128xf32, #tpu.memory_space<vmem>>, vector<1x1x256x128xf32>
    %get3A_413 = vector.shape_cast %get3A_412 : vector<1x1x256x128xf32> to vector<256x128xf32>
    %slice3A_414 = vector.extract_strided_slice %get3A_407 {offsets = [0, 0], sizes = [256, 64], strides = [1, 1]} : vector<256x128xf32> to vector<256x64xf32>
    %slice3A_415 = vector.extract_strided_slice %get3A_407 {offsets = [0, 64], sizes = [256, 1], strides = [1, 1]} : vector<256x128xf32> to vector<256x1xf32>
    %slice3A_416 = vector.extract_strided_slice %get3A_413 {offsets = [0, 0], sizes = [256, 64], strides = [1, 1]} : vector<256x128xf32> to vector<256x64xf32>
    %slice3A_417 = vector.extract_strided_slice %get3A_413 {offsets = [0, 64], sizes = [256, 1], strides = [1, 1]} : vector<256x128xf32> to vector<256x1xf32>
    %max3A_418 = arith.maximumf %slice3A_415, %slice3A_417 : vector<256x1xf32>
    %sub3A_419 = arith.subf %slice3A_415, %max3A_418 : vector<256x1xf32>
    %exp3A_420 = math.exp %sub3A_419 : vector<256x1xf32>
    %sub3A_421 = arith.subf %slice3A_417, %max3A_418 : vector<256x1xf32>
    %exp3A_422 = math.exp %sub3A_421 : vector<256x1xf32>
    %mul3A_423 = vector.broadcast %exp3A_420 : vector<256x1xf32> to vector<256x64xf32>
    %mul3A_424 = arith.mulf %slice3A_414, %mul3A_423 : vector<256x64xf32>
    %mul3A_425 = vector.broadcast %exp3A_422 : vector<256x1xf32> to vector<256x64xf32>
    %mul3A_426 = arith.mulf %slice3A_416, %mul3A_425 : vector<256x64xf32>
    %add3A_427 = arith.addf %mul3A_424, %mul3A_426 : vector<256x64xf32>
    %add3A_428 = arith.addf %exp3A_420, %exp3A_422 : vector<256x1xf32>
    %div3A_429 = vector.broadcast %add3A_428 : vector<256x1xf32> to vector<256x64xf32>
    %div3A_430 = arith.divf %add3A_427, %div3A_429 : vector<256x64xf32>
    %get3A_431 = arith.constant 11 : index
    %get3A_432 = arith.constant 0 : index
    %get3A_433 = arith.constant 0 : index
    %get3A_434 = vector.load %arg4[%get3A_431, %get3A_432, %get3A_433] : memref<16x64x1024xf32, #tpu.memory_space<vmem>>, vector<1x64x1024xf32>
    %get3A_435 = vector.shape_cast %get3A_434 : vector<1x64x1024xf32> to vector<64x1024xf32>
    %dot_general3A_436 = arith.constant dense<0.000000e+00> : vector<256x1024xf32>
    %dot_general3A_437 = tpu.matmul %div3A_430, %get3A_435, %dot_general3A_436 {dimension_numbers = #tpu.dot_dimension_numbers<[1], [0], [0], [1], [0, 0, 1, 1], [], []>, transpose_lhs_hint = false} : vector<256x64xf32>, vector<64x1024xf32>, vector<256x1024xf32> -> vector<256x1024xf32>
    %add3A_438 = arith.addf %add3A_401, %dot_general3A_437 : vector<256x1024xf32>
    %get3A_439 = arith.constant 0 : index
    %get3A_440 = arith.constant 12 : index
    %get3A_441 = arith.constant 0 : index
    %get3A_442 = arith.constant 0 : index
    %get3A_443 = vector.load %arg2[%get3A_439, %get3A_440, %get3A_441, %get3A_442] : memref<1x16x256x128xf32, #tpu.memory_space<vmem>>, vector<1x1x256x128xf32>
    %get3A_444 = vector.shape_cast %get3A_443 : vector<1x1x256x128xf32> to vector<256x128xf32>
    %get3A_445 = arith.constant 0 : index
    %get3A_446 = arith.constant 12 : index
    %get3A_447 = arith.constant 0 : index
    %get3A_448 = arith.constant 0 : index
    %get3A_449 = vector.load %arg3[%get3A_445, %get3A_446, %get3A_447, %get3A_448] : memref<1x16x256x128xf32, #tpu.memory_space<vmem>>, vector<1x1x256x128xf32>
    %get3A_450 = vector.shape_cast %get3A_449 : vector<1x1x256x128xf32> to vector<256x128xf32>
    %slice3A_451 = vector.extract_strided_slice %get3A_444 {offsets = [0, 0], sizes = [256, 64], strides = [1, 1]} : vector<256x128xf32> to vector<256x64xf32>
    %slice3A_452 = vector.extract_strided_slice %get3A_444 {offsets = [0, 64], sizes = [256, 1], strides = [1, 1]} : vector<256x128xf32> to vector<256x1xf32>
    %slice3A_453 = vector.extract_strided_slice %get3A_450 {offsets = [0, 0], sizes = [256, 64], strides = [1, 1]} : vector<256x128xf32> to vector<256x64xf32>
    %slice3A_454 = vector.extract_strided_slice %get3A_450 {offsets = [0, 64], sizes = [256, 1], strides = [1, 1]} : vector<256x128xf32> to vector<256x1xf32>
    %max3A_455 = arith.maximumf %slice3A_452, %slice3A_454 : vector<256x1xf32>
    %sub3A_456 = arith.subf %slice3A_452, %max3A_455 : vector<256x1xf32>
    %exp3A_457 = math.exp %sub3A_456 : vector<256x1xf32>
    %sub3A_458 = arith.subf %slice3A_454, %max3A_455 : vector<256x1xf32>
    %exp3A_459 = math.exp %sub3A_458 : vector<256x1xf32>
    %mul3A_460 = vector.broadcast %exp3A_457 : vector<256x1xf32> to vector<256x64xf32>
    %mul3A_461 = arith.mulf %slice3A_451, %mul3A_460 : vector<256x64xf32>
    %mul3A_462 = vector.broadcast %exp3A_459 : vector<256x1xf32> to vector<256x64xf32>
    %mul3A_463 = arith.mulf %slice3A_453, %mul3A_462 : vector<256x64xf32>
    %add3A_464 = arith.addf %mul3A_461, %mul3A_463 : vector<256x64xf32>
    %add3A_465 = arith.addf %exp3A_457, %exp3A_459 : vector<256x1xf32>
    %div3A_466 = vector.broadcast %add3A_465 : vector<256x1xf32> to vector<256x64xf32>
    %div3A_467 = arith.divf %add3A_464, %div3A_466 : vector<256x64xf32>
    %get3A_468 = arith.constant 12 : index
    %get3A_469 = arith.constant 0 : index
    %get3A_470 = arith.constant 0 : index
    %get3A_471 = vector.load %arg4[%get3A_468, %get3A_469, %get3A_470] : memref<16x64x1024xf32, #tpu.memory_space<vmem>>, vector<1x64x1024xf32>
    %get3A_472 = vector.shape_cast %get3A_471 : vector<1x64x1024xf32> to vector<64x1024xf32>
    %dot_general3A_473 = arith.constant dense<0.000000e+00> : vector<256x1024xf32>
    %dot_general3A_474 = tpu.matmul %div3A_467, %get3A_472, %dot_general3A_473 {dimension_numbers = #tpu.dot_dimension_numbers<[1], [0], [0], [1], [0, 0, 1, 1], [], []>, transpose_lhs_hint = false} : vector<256x64xf32>, vector<64x1024xf32>, vector<256x1024xf32> -> vector<256x1024xf32>
    %add3A_475 = arith.addf %add3A_438, %dot_general3A_474 : vector<256x1024xf32>
    %get3A_476 = arith.constant 0 : index
    %get3A_477 = arith.constant 13 : index
    %get3A_478 = arith.constant 0 : index
    %get3A_479 = arith.constant 0 : index
    %get3A_480 = vector.load %arg2[%get3A_476, %get3A_477, %get3A_478, %get3A_479] : memref<1x16x256x128xf32, #tpu.memory_space<vmem>>, vector<1x1x256x128xf32>
    %get3A_481 = vector.shape_cast %get3A_480 : vector<1x1x256x128xf32> to vector<256x128xf32>
    %get3A_482 = arith.constant 0 : index
    %get3A_483 = arith.constant 13 : index
    %get3A_484 = arith.constant 0 : index
    %get3A_485 = arith.constant 0 : index
    %get3A_486 = vector.load %arg3[%get3A_482, %get3A_483, %get3A_484, %get3A_485] : memref<1x16x256x128xf32, #tpu.memory_space<vmem>>, vector<1x1x256x128xf32>
    %get3A_487 = vector.shape_cast %get3A_486 : vector<1x1x256x128xf32> to vector<256x128xf32>
    %slice3A_488 = vector.extract_strided_slice %get3A_481 {offsets = [0, 0], sizes = [256, 64], strides = [1, 1]} : vector<256x128xf32> to vector<256x64xf32>
    %slice3A_489 = vector.extract_strided_slice %get3A_481 {offsets = [0, 64], sizes = [256, 1], strides = [1, 1]} : vector<256x128xf32> to vector<256x1xf32>
    %slice3A_490 = vector.extract_strided_slice %get3A_487 {offsets = [0, 0], sizes = [256, 64], strides = [1, 1]} : vector<256x128xf32> to vector<256x64xf32>
    %slice3A_491 = vector.extract_strided_slice %get3A_487 {offsets = [0, 64], sizes = [256, 1], strides = [1, 1]} : vector<256x128xf32> to vector<256x1xf32>
    %max3A_492 = arith.maximumf %slice3A_489, %slice3A_491 : vector<256x1xf32>
    %sub3A_493 = arith.subf %slice3A_489, %max3A_492 : vector<256x1xf32>
    %exp3A_494 = math.exp %sub3A_493 : vector<256x1xf32>
    %sub3A_495 = arith.subf %slice3A_491, %max3A_492 : vector<256x1xf32>
    %exp3A_496 = math.exp %sub3A_495 : vector<256x1xf32>
    %mul3A_497 = vector.broadcast %exp3A_494 : vector<256x1xf32> to vector<256x64xf32>
    %mul3A_498 = arith.mulf %slice3A_488, %mul3A_497 : vector<256x64xf32>
    %mul3A_499 = vector.broadcast %exp3A_496 : vector<256x1xf32> to vector<256x64xf32>
    %mul3A_500 = arith.mulf %slice3A_490, %mul3A_499 : vector<256x64xf32>
    %add3A_501 = arith.addf %mul3A_498, %mul3A_500 : vector<256x64xf32>
    %add3A_502 = arith.addf %exp3A_494, %exp3A_496 : vector<256x1xf32>
    %div3A_503 = vector.broadcast %add3A_502 : vector<256x1xf32> to vector<256x64xf32>
    %div3A_504 = arith.divf %add3A_501, %div3A_503 : vector<256x64xf32>
    %get3A_505 = arith.constant 13 : index
    %get3A_506 = arith.constant 0 : index
    %get3A_507 = arith.constant 0 : index
    %get3A_508 = vector.load %arg4[%get3A_505, %get3A_506, %get3A_507] : memref<16x64x1024xf32, #tpu.memory_space<vmem>>, vector<1x64x1024xf32>
    %get3A_509 = vector.shape_cast %get3A_508 : vector<1x64x1024xf32> to vector<64x1024xf32>
    %dot_general3A_510 = arith.constant dense<0.000000e+00> : vector<256x1024xf32>
    %dot_general3A_511 = tpu.matmul %div3A_504, %get3A_509, %dot_general3A_510 {dimension_numbers = #tpu.dot_dimension_numbers<[1], [0], [0], [1], [0, 0, 1, 1], [], []>, transpose_lhs_hint = false} : vector<256x64xf32>, vector<64x1024xf32>, vector<256x1024xf32> -> vector<256x1024xf32>
    %add3A_512 = arith.addf %add3A_475, %dot_general3A_511 : vector<256x1024xf32>
    %get3A_513 = arith.constant 0 : index
    %get3A_514 = arith.constant 14 : index
    %get3A_515 = arith.constant 0 : index
    %get3A_516 = arith.constant 0 : index
    %get3A_517 = vector.load %arg2[%get3A_513, %get3A_514, %get3A_515, %get3A_516] : memref<1x16x256x128xf32, #tpu.memory_space<vmem>>, vector<1x1x256x128xf32>
    %get3A_518 = vector.shape_cast %get3A_517 : vector<1x1x256x128xf32> to vector<256x128xf32>
    %get3A_519 = arith.constant 0 : index
    %get3A_520 = arith.constant 14 : index
    %get3A_521 = arith.constant 0 : index
    %get3A_522 = arith.constant 0 : index
    %get3A_523 = vector.load %arg3[%get3A_519, %get3A_520, %get3A_521, %get3A_522] : memref<1x16x256x128xf32, #tpu.memory_space<vmem>>, vector<1x1x256x128xf32>
    %get3A_524 = vector.shape_cast %get3A_523 : vector<1x1x256x128xf32> to vector<256x128xf32>
    %slice3A_525 = vector.extract_strided_slice %get3A_518 {offsets = [0, 0], sizes = [256, 64], strides = [1, 1]} : vector<256x128xf32> to vector<256x64xf32>
    %slice3A_526 = vector.extract_strided_slice %get3A_518 {offsets = [0, 64], sizes = [256, 1], strides = [1, 1]} : vector<256x128xf32> to vector<256x1xf32>
    %slice3A_527 = vector.extract_strided_slice %get3A_524 {offsets = [0, 0], sizes = [256, 64], strides = [1, 1]} : vector<256x128xf32> to vector<256x64xf32>
    %slice3A_528 = vector.extract_strided_slice %get3A_524 {offsets = [0, 64], sizes = [256, 1], strides = [1, 1]} : vector<256x128xf32> to vector<256x1xf32>
    %max3A_529 = arith.maximumf %slice3A_526, %slice3A_528 : vector<256x1xf32>
    %sub3A_530 = arith.subf %slice3A_526, %max3A_529 : vector<256x1xf32>
    %exp3A_531 = math.exp %sub3A_530 : vector<256x1xf32>
    %sub3A_532 = arith.subf %slice3A_528, %max3A_529 : vector<256x1xf32>
    %exp3A_533 = math.exp %sub3A_532 : vector<256x1xf32>
    %mul3A_534 = vector.broadcast %exp3A_531 : vector<256x1xf32> to vector<256x64xf32>
    %mul3A_535 = arith.mulf %slice3A_525, %mul3A_534 : vector<256x64xf32>
    %mul3A_536 = vector.broadcast %exp3A_533 : vector<256x1xf32> to vector<256x64xf32>
    %mul3A_537 = arith.mulf %slice3A_527, %mul3A_536 : vector<256x64xf32>
    %add3A_538 = arith.addf %mul3A_535, %mul3A_537 : vector<256x64xf32>
    %add3A_539 = arith.addf %exp3A_531, %exp3A_533 : vector<256x1xf32>
    %div3A_540 = vector.broadcast %add3A_539 : vector<256x1xf32> to vector<256x64xf32>
    %div3A_541 = arith.divf %add3A_538, %div3A_540 : vector<256x64xf32>
    %get3A_542 = arith.constant 14 : index
    %get3A_543 = arith.constant 0 : index
    %get3A_544 = arith.constant 0 : index
    %get3A_545 = vector.load %arg4[%get3A_542, %get3A_543, %get3A_544] : memref<16x64x1024xf32, #tpu.memory_space<vmem>>, vector<1x64x1024xf32>
    %get3A_546 = vector.shape_cast %get3A_545 : vector<1x64x1024xf32> to vector<64x1024xf32>
    %dot_general3A_547 = arith.constant dense<0.000000e+00> : vector<256x1024xf32>
    %dot_general3A_548 = tpu.matmul %div3A_541, %get3A_546, %dot_general3A_547 {dimension_numbers = #tpu.dot_dimension_numbers<[1], [0], [0], [1], [0, 0, 1, 1], [], []>, transpose_lhs_hint = false} : vector<256x64xf32>, vector<64x1024xf32>, vector<256x1024xf32> -> vector<256x1024xf32>
    %add3A_549 = arith.addf %add3A_512, %dot_general3A_548 : vector<256x1024xf32>
    %get3A_550 = arith.constant 0 : index
    %get3A_551 = arith.constant 15 : index
    %get3A_552 = arith.constant 0 : index
    %get3A_553 = arith.constant 0 : index
    %get3A_554 = vector.load %arg2[%get3A_550, %get3A_551, %get3A_552, %get3A_553] : memref<1x16x256x128xf32, #tpu.memory_space<vmem>>, vector<1x1x256x128xf32>
    %get3A_555 = vector.shape_cast %get3A_554 : vector<1x1x256x128xf32> to vector<256x128xf32>
    %get3A_556 = arith.constant 0 : index
    %get3A_557 = arith.constant 15 : index
    %get3A_558 = arith.constant 0 : index
    %get3A_559 = arith.constant 0 : index
    %get3A_560 = vector.load %arg3[%get3A_556, %get3A_557, %get3A_558, %get3A_559] : memref<1x16x256x128xf32, #tpu.memory_space<vmem>>, vector<1x1x256x128xf32>
    %get3A_561 = vector.shape_cast %get3A_560 : vector<1x1x256x128xf32> to vector<256x128xf32>
    %slice3A_562 = vector.extract_strided_slice %get3A_555 {offsets = [0, 0], sizes = [256, 64], strides = [1, 1]} : vector<256x128xf32> to vector<256x64xf32>
    %slice3A_563 = vector.extract_strided_slice %get3A_555 {offsets = [0, 64], sizes = [256, 1], strides = [1, 1]} : vector<256x128xf32> to vector<256x1xf32>
    %slice3A_564 = vector.extract_strided_slice %get3A_561 {offsets = [0, 0], sizes = [256, 64], strides = [1, 1]} : vector<256x128xf32> to vector<256x64xf32>
    %slice3A_565 = vector.extract_strided_slice %get3A_561 {offsets = [0, 64], sizes = [256, 1], strides = [1, 1]} : vector<256x128xf32> to vector<256x1xf32>
    %max3A_566 = arith.maximumf %slice3A_563, %slice3A_565 : vector<256x1xf32>
    %sub3A_567 = arith.subf %slice3A_563, %max3A_566 : vector<256x1xf32>
    %exp3A_568 = math.exp %sub3A_567 : vector<256x1xf32>
    %sub3A_569 = arith.subf %slice3A_565, %max3A_566 : vector<256x1xf32>
    %exp3A_570 = math.exp %sub3A_569 : vector<256x1xf32>
    %mul3A_571 = vector.broadcast %exp3A_568 : vector<256x1xf32> to vector<256x64xf32>
    %mul3A_572 = arith.mulf %slice3A_562, %mul3A_571 : vector<256x64xf32>
    %mul3A_573 = vector.broadcast %exp3A_570 : vector<256x1xf32> to vector<256x64xf32>
    %mul3A_574 = arith.mulf %slice3A_564, %mul3A_573 : vector<256x64xf32>
    %add3A_575 = arith.addf %mul3A_572, %mul3A_574 : vector<256x64xf32>
    %add3A_576 = arith.addf %exp3A_568, %exp3A_570 : vector<256x1xf32>
    %div3A_577 = vector.broadcast %add3A_576 : vector<256x1xf32> to vector<256x64xf32>
    %div3A_578 = arith.divf %add3A_575, %div3A_577 : vector<256x64xf32>
    %get3A_579 = arith.constant 15 : index
    %get3A_580 = arith.constant 0 : index
    %get3A_581 = arith.constant 0 : index
    %get3A_582 = vector.load %arg4[%get3A_579, %get3A_580, %get3A_581] : memref<16x64x1024xf32, #tpu.memory_space<vmem>>, vector<1x64x1024xf32>
    %get3A_583 = vector.shape_cast %get3A_582 : vector<1x64x1024xf32> to vector<64x1024xf32>
    %dot_general3A_584 = arith.constant dense<0.000000e+00> : vector<256x1024xf32>
    %dot_general3A_585 = tpu.matmul %div3A_578, %get3A_583, %dot_general3A_584 {dimension_numbers = #tpu.dot_dimension_numbers<[1], [0], [0], [1], [0, 0, 1, 1], [], []>, transpose_lhs_hint = false} : vector<256x64xf32>, vector<64x1024xf32>, vector<256x1024xf32> -> vector<256x1024xf32>
    %add3A_586 = arith.addf %add3A_549, %dot_general3A_585 : vector<256x1024xf32>
    %swap3A = arith.constant 0 : index
    %swap3A_587 = arith.constant 0 : index
    %swap3A_588 = arith.constant 0 : index
    %swap3A_589 = vector.load %arg6[%swap3A, %swap3A_587, %swap3A_588] : memref<1x256x1024xf32, #tpu.memory_space<vmem>>, vector<1x256x1024xf32>
    %swap3A_590 = vector.shape_cast %swap3A_589 : vector<1x256x1024xf32> to vector<256x1024xf32>
    %swap3A_591 = vector.shape_cast %add3A_586 : vector<256x1024xf32> to vector<1x256x1024xf32>
    tpu.vector_store %arg6[%swap3A, %swap3A_587, %swap3A_588], %swap3A_591 {strides = array<i32>} : memref<1x256x1024xf32, #tpu.memory_space<vmem>>, vector<1x256x1024xf32>,
    return
  }
  func.func @transform_0(%arg0: i32, %arg1: i32) -> (i32, i32, i32, i32) {
    %c0_i32 = arith.constant 0 : i32
    %c0_i32_0 = arith.constant 0 : i32
    %c0_i32_1 = arith.constant 0 : i32
    return %arg0, %c0_i32, %arg1, %c0_i32_0 : i32, i32, i32, i32
  }
  func.func @transform_1(%arg0: i32, %arg1: i32) -> (i32, i32, i32, i32) {
    %add3A = arith.constant 8 : i32
    %add3A_0 = arith.addi %arg1, %add3A : i32
    %c0_i32 = arith.constant 0 : i32
    %c0_i32_1 = arith.constant 0 : i32
    %c0_i32_2 = arith.constant 0 : i32
    return %arg0, %c0_i32, %add3A_0, %c0_i32_1 : i32, i32, i32, i32
  }
  func.func @transform_2(%arg0: i32, %arg1: i32) -> (i32, i32, i32) {
    %c0_i32 = arith.constant 0 : i32
    %c0_i32_0 = arith.constant 0 : i32
    %c0_i32_1 = arith.constant 0 : i32
    %c0_i32_2 = arith.constant 0 : i32
    return %c0_i32, %c0_i32_0, %c0_i32_1 : i32, i32, i32
  }
  func.func @transform_3(%arg0: i32, %arg1: i32) -> (i32, i32) {
    %c0_i32 = arith.constant 0 : i32
    %c0_i32_0 = arith.constant 0 : i32
    %c0_i32_1 = arith.constant 0 : i32
    return %c0_i32, %c0_i32_0 : i32, i32
  }
  func.func @transform_4(%arg0: i32, %arg1: i32) -> (i32, i32, i32) {
    %c0_i32 = arith.constant 0 : i32
    %c0_i32_0 = arith.constant 0 : i32
    return %arg0, %arg1, %c0_i32 : i32, i32, i32
  }
}

</mosaic_0001>

<sc_bundles>
// kernel: kernel.11.cloned.1.call-start
scs
__scs_entry_jumppad:
0x0: {  	(pc) =	sbr.rel $0x88, $3  }
0x1: {  	(tag) =	ssettag $0x0;
	lr =	simm.s32 $0x1  }
0x2: {  	[smem:$0x3F99] =	sst lr;
	_ =	strace $0xD0000000  }
0x3: {  	_ = 	snop  }
0x4: {  	_ = 	snop  }
0x5: {  	_ = 	snop  }
0x6: {  	_ = 	snop  }
0x7: {  	_ = 	snop  }
__scs_overlays_trampoline_lowered:
0x8: {  	[smem:$0x3FA8] =	sst s0  }
0x9: {  	[smem:$0x3FA9] =	sst s1  }
0xa: {  	[smem:$0x3FAA] =	sst s2  }
0xb: {  	[smem:$0x3FAB] =	sst s3  }
0xc: {  	[smem:$0x3FAC] =	sst s4  }
0xd: {  	[smem:$0x3FAD] =	sst s5  }
0xe: {  	[smem:$0x3FAE] =	sst s6  }
0xf: {  	[smem:$0x3FAF] =	sst s7  }
0x10: {  	[smem:$0x3FB0] =	sst s8  }
0x11: {  	[smem:$0x3FB1] =	sst s9;
	s0 =	simm.s32 @!p0 $0x0  }
0x12: {  	s1 =	sld [smem:$0x3F97];
	s0 =	simm.s32 @p0 $0x1  }
0x13: {  	[smem:$0x3FB2] =	sst s0;
	s0 =	simm.s32 @!p1 $0x0  }
0x14: {  	s2 =	sld [smem:$0x3F96];
	s0 =	simm.s32 @p1 $0x1  }
0x15: {  	[smem:$0x3FB3] =	sst s0;
	s0 =	simm.s32 @!p2 $0x0  }
0x16: {  	s3 =	sld [smem:$0x3FDB];
	s0 =	simm.s32 @p2 $0x1  }
0x17: {  	s4 =	simm.s32 $0x1BF5;
	[smem:$0x3FB5] =	sst s0  }
0x18: {  	s0 =	sld [smem:$0x3F98];
	_ =	swait.ge [sflag:s4], $0x0  }
0x19: {  	s7 =	sld [smem:$0x3F99]  }
0x1a: {  	s8 =	sadd.s32 $0xFFFFE003, lr  }
0x1b: {  	s9 =	sadd.s32 $0xFFFFFEF7, lr;
	s5 =	simm.s32 $0xFFFFFFFF;
	p2 =	slt.u32 s8, $0xFFFFF086  }
0x1c: {  	p1 =	slt.u32 s9, $0xF7A;
	s5 =	simm.s32 @!p2 $0x0  }
0x1d: {  	s5 =	simm.s32 @p1 $0x1;
	p0 =	seq.s32 s7, s2  }
0x1e: {  	s7 =	smul.u32 @!p0 $0xF7A, s2;
	p2 =	seq.s32 @!p0 s5, $0x0  }
0x1f: {  	s9 =	smul.u32 $0xF7A, s1;
	s8 =	simm.s32 @!p0 $0x1BF5;
	p2 =	por !p2, p0  }
0x20: {  	[sflag:s8] =	ssyncset.s32 @!p0 $0xFFFFF086;
	s6 =	sadd.s32 @!p0 s3, s7;
	s7 =	simm.s32 @!p0 $0x108  }
0x21: {  	s3 =	sadd.s32 s3, s9;
	s6 =	sadd.s32 @!p0 $0x88, s6;
	s7 =	simm.s32 @p2 $0x1082  }
0x22: {  	[simem:s7], [sflag:s8] =	dma.local @!p0 [hbm:s6], $0xF7A  }
0x23: {  	s9 =	sor.u32 $0xD0000000, s2;
	s6 =	simm.s32 $0x108;
	_ =	swait.ge @!p0 [sflag:s8], $0x0  }
0x24: {  	s3 =	sadd.s32 $0x88, s3;
	s6 =	simm.s32 @!p1 $0x1082;
	[sflag:s4] =	ssyncset.s32 $0xFFFFF086  }
0x25: {  	[simem:s6], [sflag:s4] =	dma.local [hbm:s3], $0xF7A  }
0x26: {  	[smem:$0x3F99] =	sst s1;
	(tag) =	ssettag s2;
	_ =	strace s9  }
0x27: {  	s1 =	sld [smem:$0x3FA9]  }
0x28: {  	s2 =	sld [smem:$0x3FAA]  }
0x29: {  	s4 =	sld [smem:$0x3FAC]  }
0x2a: {  	p0 =	seq.s32 s5, $0x0;
	s5 =	sld [smem:$0x3FAD]  }
0x2b: {  	s6 =	sld [smem:$0x3FAE]  }
0x2c: {  	s7 =	sld [smem:$0x3FAF]  }
0x2d: {  	s3 =	simm.s32 $0x108;
	s8 =	sld [smem:$0x3FB0]  }
0x2e: {  	s3 =	simm.s32 @!p0 $0x1082;
	s9 =	sld [smem:$0x3FB1]  }
0x2f: {  	lr =	sadd.s32 s0, s3;
	s0 =	sld [smem:$0x3FA8]  }
0x30: {  	s3 =	sld [smem:$0x3FAB]  }
0x31: {  	[smem:$0x3FB4] =	sst s10  }
0x32: {  	s10 =	sld [smem:$0x3FB2];
	_ =	sdelay $0x3  }
0x33: {  	p0 =	seq.s32 s10, $0x1;
	s10 =	sld [smem:$0x3FB4];
	_ =	sdelay $0x3  }
0x34: {  	[smem:$0x3FB4] =	sst s10  }
0x35: {  	s10 =	sld [smem:$0x3FB3];
	_ =	sdelay $0x3  }
0x36: {  	p1 =	seq.s32 s10, $0x1;
	s10 =	sld [smem:$0x3FB4];
	_ =	sdelay $0x3  }
0x37: {  	[smem:$0x3FB4] =	sst s10  }
0x38: {  	s10 =	sld [smem:$0x3FB5]  }
0x39: {  	_ = 	snop;
	(pc) =	sbr.ind lr, $3  }
0x3a: {  	_ = 	snop  }
0x3b: {  	_ = 	snop  }
0x3c: {  	p2 =	seq.s32 s10, $0x1;
	s10 =	sld [smem:$0x3FB4]  }
0x3d: {  	_ =	shalt  }
0x3e: {  	_ =	shalt  }
0x3f: {  	_ =	shalt  }
0x40: {  	_ =	shalt  }
0x41: {  	_ =	shalt  }
0x42: {  	_ =	shalt  }
0x43: {  	_ =	shalt  }
0x44: {  	_ =	shalt  }
0x45: {  	_ =	shalt  }
0x46: {  	_ =	shalt  }
0x47: {  	_ =	shalt  }
0x48: {  	_ =	shalt  }
0x49: {  	_ =	shalt  }
0x4a: {  	_ =	shalt  }
0x4b: {  	_ =	shalt  }
0x4c: {  	_ =	shalt  }
0x4d: {  	_ =	shalt  }
0x4e: {  	_ =	shalt  }
0x4f: {  	_ =	shalt  }
0x50: {  	_ =	shalt  }
0x51: {  	_ =	shalt  }
0x52: {  	_ =	shalt  }
0x53: {  	_ =	shalt  }
0x54: {  	_ =	shalt  }
0x55: {  	_ =	shalt  }
0x56: {  	_ =	shalt  }
0x57: {  	_ =	shalt  }
0x58: {  	_ =	shalt  }
0x59: {  	_ =	shalt  }
0x5a: {  	_ =	shalt  }
0x5b: {  	_ =	shalt  }
0x5c: {  	_ =	shalt  }
0x5d: {  	_ =	shalt  }
0x5e: {  	_ =	shalt  }
0x5f: {  	_ =	shalt  }
0x60: {  	_ =	shalt  }
0x61: {  	_ =	shalt  }
0x62: {  	_ =	shalt  }
0x63: {  	_ =	shalt  }
0x64: {  	_ =	shalt  }
0x65: {  	_ =	shalt  }
0x66: {  	_ =	shalt  }
0x67: {  	_ =	shalt  }
0x68: {  	_ =	shalt  }
0x69: {  	_ =	shalt  }
0x6a: {  	_ =	shalt  }
0x6b: {  	_ =	shalt  }
0x6c: {  	_ =	shalt  }
0x6d: {  	_ =	shalt  }
0x6e: {  	_ =	shalt  }
0x6f: {  	_ =	shalt  }
0x70: {  	_ =	shalt  }
0x71: {  	_ =	shalt  }
0x72: {  	_ =	shalt  }
0x73: {  	_ =	shalt  }
0x74: {  	_ =	shalt  }
0x75: {  	_ =	shalt  }
0x76: {  	_ =	shalt  }
0x77: {  	_ =	shalt  }
0x78: {  	_ =	shalt  }
0x79: {  	_ =	shalt  }
0x7a: {  	_ =	shalt  }
0x7b: {  	_ =	shalt  }
0x7c: {  	_ =	shalt  }
0x7d: {  	_ =	shalt  }
0x7e: {  	_ =	shalt  }
0x7f: {  	_ =	shalt  }
0x80: {  	_ =	shalt  }
0x81: {  	_ =	shalt  }
0x82: {  	_ =	shalt  }
0x83: {  	_ =	shalt  }
0x84: {  	_ =	shalt  }
0x85: {  	_ =	shalt  }
0x86: {  	_ =	shalt  }
0x87: {  	_ =	shalt  }
.Lfunc_end0:
.L_simem_size_0:
called_computation.1_lowered:
.L_overlay_start_0:
0x88: {  	s2 =	sld [smem:$0x3FD9]  }
0x89: {  	s3 =	sld [smem:$0x3FFE];
	_ =	sdelay $0x1  }
0x8a: {  	s1 =	srdreg.scid  }
0x8b: {  	s0 =	sand.u32 $0x1, s1  }
0x8c: {  	s17 =	sshll.u32 s0, $0xA;
	s2 =	sadd.s32 s3, s2  }
0x8d: {  	s2 =	sadd.s32 s2, s17  }
0x8e: {  	[smem:$0x3FC0] =	sst s2  }
0x8f: {  	_ = 	snop  }
0x90: {  	s2 =	sld [smem:$0x3FD0];
	(tm) =	ssettm $0x1  }
0x91: {  	s18 =	sld [smem:$0x3FFB];
	_ =	sdelay $0x3  }
0x92: {  	_ =	strace s18  }
0x93: {  	s3 =	sld [smem:$0x3FFC];
	_ =	sdelay $0x3  }
0x94: {  	_ =	strace s3  }
0x95: {  	s3 =	sld [smem:$0x3FFD];
	_ =	sdelay $0x3  }
0x96: {  	_ =	strace s3  }
0x97: {  	_ =	strace $0x8FFFFFFF  }
0x98: {  	s19 =	sld [smem:$0x3FDB];
	_ =	sdelay $0x1  }
0x99: {  	s4 =	simm.s32 $_scs_section_size  }
0x9a: {  	s5 =	simm.s32 $_size__tile_overlayer_lowered;
	s6 =	simm.s32 $_tile_overlayer_lowered  }
0x9b: {  	s22 =	simm.s32 $0x1BFF;
	s21 =	sshll.u32 s6, $0x1;
	s3 =	sadd.s32 s4, s19  }
0x9c: {  	s7 =	simm.s32 $0x0;
	s20 =	sshll.u32 s5, $0x1;
	s5 =	sadd.s32 s21, s3  }
0x9d: {  	[timem:s7], [sflag:s22] =	dma.local [hbm:s5], s20  }
0x9e: {  	_ =	swait.ge [sflag:s22], s20  }
0x9f: {  	s4 =	ssub.s32 $0x0, s20;
	[sflag:s22] =	ssyncset.done $0x0  }
0xa0: {  	[sflag:s22] =	ssyncadd.s32 s4;
	_ =	sdelay $0x1  }
0xa1: {  	s23 =	simm.s32 $0x1B8B  }
0xa2: {  	_ =	swait.ge [sflag:s23], $0x1  }
0xa3: {  	[sflag:s23] =	ssyncset.done $0x0  }
0xa4: {  	s25 =	simm.s32 $0x1B8E;
	s24 =	sld [smem:$0x3FFE];
	[sflag:s23] =	ssyncadd.s32 $0xFFFFFFFF  }
0xa5: {  	s26 =	simm.s32 $execute0_lowered;
	[smem:$0x3FD2] =	sst s25  }
0xa6: {  	s5 =	sshll.u32 s26, $0x1;
	_ =	strace $0x80000049;
	[dreg:$0x1] =	wrdreg $0xFFFFFFFF  }
0xa7: {  	s28 =	simm.s32 $_size_execute0_lowered;
	s3 =	sadd.s32 s3, s5;
	[dreg:$0x0] =	wrdreg $0x0  }
0xa8: {  	s5 =	sshll.u32 s28, $0x1;
	[dreg:$0x2] =	wrdreg s3  }
0xa9: {  	[dreg:$0x3] =	wrdreg s5  }
0xaa: {  	[dreg:$0x4] =	wrdreg $0xC0  }
0xab: {  	_ =	task [dreg:s7], $0x5FFFF  }
0xac: {  	[dreg:$0x1] =	wrdreg $0xFFFFFFFF  }
0xad: {  	[dreg:$0x0] =	wrdreg $0x60  }
0xae: {  	[dreg:$0x2] =	wrdreg s24  }
0xaf: {  	[dreg:$0x3] =	wrdreg s2  }
0xb0: {  	[dreg:$0x4] =	wrdreg $0x9  }
0xb1: {  	_ =	task.clear_ibuf [dreg:s7], $0x5FFFF;
	_ =	strace $0x90000049  }
0xb2: {  	s29 =	simm.s32 $0x9;
	_ =	strace $0x8000004B  }
0xb3: {  	_ =	swait.ge [sflag:s29], $0x1  }
0xb4: {  	[sflag:s29] =	ssyncadd.s32 $0xFFFFFFFF  }
0xb5: {  	_ =	strace $0x9000004B  }
0xb6: {  	_ =	sfence  }
0xb7: {  	s30 =	sld [smem:$0x0];
	_ =	sdelay $0x2  }
0xb8: {  	s31 =	sshll.u32 s1, $0xD;
	s1 =	sshrl.u32 s1, $0x2  }
0xb9: {  	s3 =	sand.u32 $0x4000, s31;
	s1 =	sadd.s32 s1, s30  }
0xba: {  	s0 =	sor.u32 s3, s0;
	s1 =	sshll.u32 s1, $0x11  }
0xbb: {  	s0 =	sor.u32 s1, s0  }
0xbc: {  	s0 =	sadd.s32 $0x8F2B, s0  }
0xbd: {  	[sflag:s0] =	ssyncadd.remote.s32 $0x1  }
0xbe: {  	_ =	sfence.sel $0xFFFF  }
0xbf: {  	[dreg:$0x0] =	wrdreg $0xFFFFFFFF;
	(pc) =	sbr.abs _section_cstart, $3  }
0xc0: {  	[dreg:$0x1] =	wrdreg $0xFFFFFFFF  }
0xc1: {  	_ =	task.clear_ibuf [dreg:s7], $0x2FFFF;
	_ =	strace $0x9FFFFFFF  }
0xc2: {  	(tm) =	ssettm $0x7FFFFFFF  }
0xc3: {  	_ =	shalt  }
tec
execute0_lowered:
.L_overlay_start_1:
0x0: {  	(tag) =	ssettag $0x1  }
0x1: {  	s4 =	rddreg [dreg:$0x0]  }
0x2: {  	s5 =	rddreg [dreg:$0x1]  }
0x3: {  	s0 =	rddreg [dreg:$0x2];
	s2 =	simm.s32 $0x0  }
0x4: {  	s1 =	stileid.u32;
	s3 =	srdreg.scid;
	s11 =	simm.s32 $0x0  }
0x5: {  	[smem:$0x7FF] =	sst s2;
	s7 =	sand.u32 $0x1, s3;
	s3 =	sadd.s32 $0x301400, s4  }
0x6: {  	s6 =	sshll.u32 s1, $0x11;
	s9 =	sshll.u32 s1, $0xA;
	_ =	strace $0x8000004A  }
0x7: {  	s6 =	sadd.s32 s6, s4;
	s30 =	ssub.s32 $0x2, s7;
	s10 =	sshll.u32 s7, $0x9  }
0x8: {  	s7 =	sshll.u32 s7, $0x10;
	s8 =	sshrl.u32 s30, $0x1;
	s31 =	sor.u32 s10, s9  }
0x9: {  	s6 =	sadd.s32 s7, s6;
	s7 =	simm.s32 $0x2;
	s9 =	simm.s32 $0x1000  }
0xa: {  	s10 =	simm.s32 $0x1;
	s8 =	ssub.s32 s30, s8;
	s4 =	sadd.s32 s5, s31  }
0xb: {  	s6 =	sadd.s32 $0x1400, s6;
	s5 =	smax.u32 s8, $0x1;
	s8 =	simm.s32 $0x80  }
.LBB2_1:
0xc: {  	[tilespmem:s2], [sflag:$0x2] =	stream.linear.gather [hbm4b:s4+s2], $0x1000, $0x38;
	[tilespmem:$0x5000] =	vst v63  }
0xd: {  	_ =	swait.ge [sflag:s7], $0x1000  }
0xe: {  	[sflag:s7] =	ssyncset.done $0x0  }
0xf: {  	s12 =	simm.s32 $0x0;
	[sflag:s7] =	ssyncadd.s32 $0xFFFFF000  }
0x10: {  	[tilespmem:s9], [sflag:$0x1] =	stream.indirect.gather [hbm4b:s3+s8], $0x80, s12, s8, $0xb8;
	[tilespmem:$0x5000] =	vst v63  }
0x11: {  	_ =	swait.ge [sflag:s10], $0x4000  }
0x12: {  	[sflag:s10] =	ssyncset.done $0x0  }
0x13: {  	[sflag:s10] =	ssyncadd.s32 $0xFFFFC000  }
0x14: {  	[hbm4b:s6+s2] =	stream.linear.scatter [tilespmem:s9], [sflag:$0x2], $0x4000, $0x38;
	[tilespmem:$0x5000] =	vst v63  }
0x15: {  	s13 =	simm.s32 $0x200;
	_ =	swait.ge [sflag:s7], $0x4000  }
0x16: {  	s14 =	simm.s32 $0x400;
	s12 =	sadd.s32 $0x800, s6;
	[sflag:s7] =	ssyncset.done $0x0  }
.LBB2_2:
0x17: {  	s15 =	sshra.s32 s13, $0x2  }
0x18: {  	[sflag:s7] =	ssyncadd.s32 $0xFFFFC000;
	s13 =	smov.u32 s14;
	s16 =	sadd.s32 $0x200, s14  }
0x19: {  	[tilespmem:s9], [sflag:$0x1] =	stream.indirect.gather [hbm4b:s3+s8], $0x80, s15, s8, $0xb8;
	[tilespmem:$0x5000] =	vst v63  }
0x1a: {  	p0 =	sne.s32 s14, $0x3E00;
	_ =	swait.ge [sflag:s10], $0x4000  }
.Ltmp0:
0x1b: {  	[sflag:s10] =	ssyncset.done $0x0;
	(pc) =	sbr.rel @p0 .LBB2_2-.Ltmp0, $4  }
0x1c: {  	[sflag:s10] =	ssyncadd.s32 $0xFFFFC000  }
0x1d: {  	[hbm4b:s12+s2] =	stream.linear.scatter [tilespmem:s9], [sflag:$0x2], $0x4000, $0x38;
	[tilespmem:$0x5000] =	vst v63  }
0x1e: {  	_ =	swait.ge [sflag:s7], $0x4000  }
0x1f: {  	s14 =	smov.u32 s16;
	s12 =	sadd.s32 $0x800, s12;
	[sflag:s7] =	ssyncset.done $0x0  }
0x20: {  	s13 =	sshra.s32 s13, $0x2;
	[sflag:s7] =	ssyncadd.s32 $0xFFFFC000  }
0x21: {  	[tilespmem:s9], [sflag:$0x1] =	stream.indirect.gather [hbm4b:s3+s8], $0x80, s13, s8, $0xb8;
	[tilespmem:$0x5000] =	vst v63  }
0x22: {  	s11 =	sadd.s32 $0x1, s11;
	_ =	swait.ge [sflag:s10], $0x4000  }
0x23: {  	p0 =	sne.s32 s11, s5;
	[sflag:s10] =	ssyncset.done $0x0  }
.Ltmp1:
0x24: {  	[sflag:s10] =	ssyncadd.s32 $0xFFFFC000;
	(pc) =	sbr.rel @p0 .LBB2_1-.Ltmp1, $4  }
0x25: {  	[hbm4b:s12+s2] =	stream.linear.scatter [tilespmem:s9], [sflag:$0x2], $0x4000, $0x38;
	[tilespmem:$0x5000] =	vst v63  }
0x26: {  	_ =	swait.ge [sflag:s7], $0x4000  }
0x27: {  	[sflag:s7] =	ssyncset.done $0x0  }
0x28: {  	[sflag:s7] =	ssyncadd.s32 $0xFFFFC000  }
0x29: {  	_ =	sfence.sel $0x180000  }
0x2a: {  	[bflag:$0x0] =	sbarrier.arrive $0xFFFF  }
0x2b: {  	p0 =	sne.s32 s1, $0x0;
	_ =	strace $0x9000004A  }
0x2c: {  	s0 =	sadd.s32 @!p0 $0x100000, s0;
	[bflag:$0x2] =	sbarrier.arrive $0xFFFF  }
0x2d: {  	[sflag:s0] =	ssyncadd.tile.s32 @!p0 $0x1;
	_ =	shalt  }
.Lfunc_end2:
_tile_overlayer_lowered:
.L_overlay_start_2:
0x2e: {  	(tag) =	ssettag $0x2  }
0x2f: {  	s0 =	rddreg [dreg:$0x0];
	s2 =	stileid.u32  }
0x30: {  	s1 =	rddreg [dreg:$0x1];
	p0 =	sne.s32 s2, $0x0  }
0x31: {  	s3 =	rddreg [dreg:$0x2];
	[bflag:$0x3] =	sbarrier.arrive $0xFFFF;
	s2 =	simm.s32 @!p0 $0x1C02  }
0x32: {  	[timem:s3], [sflag:s2] =	dma.local @!p0 [hbm:s0], s1  }
0x33: {  	s0 =	simm.s32 @!p0 $0x2  }
0x34: {  	_ =	swait.ge @!p0 [sflag:s0], s1  }
0x35: {  	s1 =	ssub.s32 @!p0 $0x0, s1;
	[sflag:s0] =	ssyncset.done @!p0 $0x0  }
0x36: {  	[sflag:s0] =	ssyncadd.s32 @!p0 s1  }
0x37: {  	[bflag:$0x3] =	sbarrier.arrive $0xFFFF  }
0x38: {  	_ =	shalt  }

// kernel: kernel.8.cloned.1.call-start
scs
__scs_entry_jumppad:
0x0: {  	(pc) =	sbr.rel $0x88, $3  }
0x1: {  	(tag) =	ssettag $0x0;
	lr =	simm.s32 $0x1  }
0x2: {  	[smem:$0x3F99] =	sst lr;
	_ =	strace $0xD0000000  }
0x3: {  	_ = 	snop  }
0x4: {  	_ = 	snop  }
0x5: {  	_ = 	snop  }
0x6: {  	_ = 	snop  }
0x7: {  	_ = 	snop  }
__scs_overlays_trampoline_lowered:
0x8: {  	[smem:$0x3FA8] =	sst s0  }
0x9: {  	[smem:$0x3FA9] =	sst s1  }
0xa: {  	[smem:$0x3FAA] =	sst s2  }
0xb: {  	[smem:$0x3FAB] =	sst s3  }
0xc: {  	[smem:$0x3FAC] =	sst s4  }
0xd: {  	[smem:$0x3FAD] =	sst s5  }
0xe: {  	[smem:$0x3FAE] =	sst s6  }
0xf: {  	[smem:$0x3FAF] =	sst s7  }
0x10: {  	[smem:$0x3FB0] =	sst s8  }
0x11: {  	[smem:$0x3FB1] =	sst s9;
	s0 =	simm.s32 @!p0 $0x0  }
0x12: {  	s1 =	sld [smem:$0x3F97];
	s0 =	simm.s32 @p0 $0x1  }
0x13: {  	[smem:$0x3FB2] =	sst s0;
	s0 =	simm.s32 @!p1 $0x0  }
0x14: {  	s2 =	sld [smem:$0x3F96];
	s0 =	simm.s32 @p1 $0x1  }
0x15: {  	[smem:$0x3FB3] =	sst s0;
	s0 =	simm.s32 @!p2 $0x0  }
0x16: {  	s3 =	sld [smem:$0x3FDB];
	s0 =	simm.s32 @p2 $0x1  }
0x17: {  	s4 =	simm.s32 $0x1BF5;
	[smem:$0x3FB5] =	sst s0  }
0x18: {  	s0 =	sld [smem:$0x3F98];
	_ =	swait.ge [sflag:s4], $0x0  }
0x19: {  	s7 =	sld [smem:$0x3F99]  }
0x1a: {  	s8 =	sadd.s32 $0xFFFFE003, lr  }
0x1b: {  	s9 =	sadd.s32 $0xFFFFFEF7, lr;
	s5 =	simm.s32 $0xFFFFFFFF;
	p2 =	slt.u32 s8, $0xFFFFF086  }
0x1c: {  	p1 =	slt.u32 s9, $0xF7A;
	s5 =	simm.s32 @!p2 $0x0  }
0x1d: {  	s5 =	simm.s32 @p1 $0x1;
	p0 =	seq.s32 s7, s2  }
0x1e: {  	s7 =	smul.u32 @!p0 $0xF7A, s2;
	p2 =	seq.s32 @!p0 s5, $0x0  }
0x1f: {  	s9 =	smul.u32 $0xF7A, s1;
	s8 =	simm.s32 @!p0 $0x1BF5;
	p2 =	por !p2, p0  }
0x20: {  	[sflag:s8] =	ssyncset.s32 @!p0 $0xFFFFF086;
	s6 =	sadd.s32 @!p0 s3, s7;
	s7 =	simm.s32 @!p0 $0x108  }
0x21: {  	s3 =	sadd.s32 s3, s9;
	s6 =	sadd.s32 @!p0 $0x88, s6;
	s7 =	simm.s32 @p2 $0x1082  }
0x22: {  	[simem:s7], [sflag:s8] =	dma.local @!p0 [hbm:s6], $0xF7A  }
0x23: {  	s9 =	sor.u32 $0xD0000000, s2;
	s6 =	simm.s32 $0x108;
	_ =	swait.ge @!p0 [sflag:s8], $0x0  }
0x24: {  	s3 =	sadd.s32 $0x88, s3;
	s6 =	simm.s32 @!p1 $0x1082;
	[sflag:s4] =	ssyncset.s32 $0xFFFFF086  }
0x25: {  	[simem:s6], [sflag:s4] =	dma.local [hbm:s3], $0xF7A  }
0x26: {  	[smem:$0x3F99] =	sst s1;
	(tag) =	ssettag s2;
	_ =	strace s9  }
0x27: {  	s1 =	sld [smem:$0x3FA9]  }
0x28: {  	s2 =	sld [smem:$0x3FAA]  }
0x29: {  	s4 =	sld [smem:$0x3FAC]  }
0x2a: {  	p0 =	seq.s32 s5, $0x0;
	s5 =	sld [smem:$0x3FAD]  }
0x2b: {  	s6 =	sld [smem:$0x3FAE]  }
0x2c: {  	s7 =	sld [smem:$0x3FAF]  }
0x2d: {  	s3 =	simm.s32 $0x108;
	s8 =	sld [smem:$0x3FB0]  }
0x2e: {  	s3 =	simm.s32 @!p0 $0x1082;
	s9 =	sld [smem:$0x3FB1]  }
0x2f: {  	lr =	sadd.s32 s0, s3;
	s0 =	sld [smem:$0x3FA8]  }
0x30: {  	s3 =	sld [smem:$0x3FAB]  }
0x31: {  	[smem:$0x3FB4] =	sst s10  }
0x32: {  	s10 =	sld [smem:$0x3FB2];
	_ =	sdelay $0x3  }
0x33: {  	p0 =	seq.s32 s10, $0x1;
	s10 =	sld [smem:$0x3FB4];
	_ =	sdelay $0x3  }
0x34: {  	[smem:$0x3FB4] =	sst s10  }
0x35: {  	s10 =	sld [smem:$0x3FB3];
	_ =	sdelay $0x3  }
0x36: {  	p1 =	seq.s32 s10, $0x1;
	s10 =	sld [smem:$0x3FB4];
	_ =	sdelay $0x3  }
0x37: {  	[smem:$0x3FB4] =	sst s10  }
0x38: {  	s10 =	sld [smem:$0x3FB5]  }
0x39: {  	_ = 	snop;
	(pc) =	sbr.ind lr, $3  }
0x3a: {  	_ = 	snop  }
0x3b: {  	_ = 	snop  }
0x3c: {  	p2 =	seq.s32 s10, $0x1;
	s10 =	sld [smem:$0x3FB4]  }
0x3d: {  	_ =	shalt  }
0x3e: {  	_ =	shalt  }
0x3f: {  	_ =	shalt  }
0x40: {  	_ =	shalt  }
0x41: {  	_ =	shalt  }
0x42: {  	_ =	shalt  }
0x43: {  	_ =	shalt  }
0x44: {  	_ =	shalt  }
0x45: {  	_ =	shalt  }
0x46: {  	_ =	shalt  }
0x47: {  	_ =	shalt  }
0x48: {  	_ =	shalt  }
0x49: {  	_ =	shalt  }
0x4a: {  	_ =	shalt  }
0x4b: {  	_ =	shalt  }
0x4c: {  	_ =	shalt  }
0x4d: {  	_ =	shalt  }
0x4e: {  	_ =	shalt  }
0x4f: {  	_ =	shalt  }
0x50: {  	_ =	shalt  }
0x51: {  	_ =	shalt  }
0x52: {  	_ =	shalt  }
0x53: {  	_ =	shalt  }
0x54: {  	_ =	shalt  }
0x55: {  	_ =	shalt  }
0x56: {  	_ =	shalt  }
0x57: {  	_ =	shalt  }
0x58: {  	_ =	shalt  }
0x59: {  	_ =	shalt  }
0x5a: {  	_ =	shalt  }
0x5b: {  	_ =	shalt  }
0x5c: {  	_ =	shalt  }
0x5d: {  	_ =	shalt  }
0x5e: {  	_ =	shalt  }
0x5f: {  	_ =	shalt  }
0x60: {  	_ =	shalt  }
0x61: {  	_ =	shalt  }
0x62: {  	_ =	shalt  }
0x63: {  	_ =	shalt  }
0x64: {  	_ =	shalt  }
0x65: {  	_ =	shalt  }
0x66: {  	_ =	shalt  }
0x67: {  	_ =	shalt  }
0x68: {  	_ =	shalt  }
0x69: {  	_ =	shalt  }
0x6a: {  	_ =	shalt  }
0x6b: {  	_ =	shalt  }
0x6c: {  	_ =	shalt  }
0x6d: {  	_ =	shalt  }
0x6e: {  	_ =	shalt  }
0x6f: {  	_ =	shalt  }
0x70: {  	_ =	shalt  }
0x71: {  	_ =	shalt  }
0x72: {  	_ =	shalt  }
0x73: {  	_ =	shalt  }
0x74: {  	_ =	shalt  }
0x75: {  	_ =	shalt  }
0x76: {  	_ =	shalt  }
0x77: {  	_ =	shalt  }
0x78: {  	_ =	shalt  }
0x79: {  	_ =	shalt  }
0x7a: {  	_ =	shalt  }
0x7b: {  	_ =	shalt  }
0x7c: {  	_ =	shalt  }
0x7d: {  	_ =	shalt  }
0x7e: {  	_ =	shalt  }
0x7f: {  	_ =	shalt  }
0x80: {  	_ =	shalt  }
0x81: {  	_ =	shalt  }
0x82: {  	_ =	shalt  }
0x83: {  	_ =	shalt  }
0x84: {  	_ =	shalt  }
0x85: {  	_ =	shalt  }
0x86: {  	_ =	shalt  }
0x87: {  	_ =	shalt  }
.Lfunc_end0:
.L_simem_size_0:
called_computation_lowered:
.L_overlay_start_0:
0x88: {  	s2 =	sld [smem:$0x3FD9]  }
0x89: {  	s3 =	sld [smem:$0x3FFE];
	_ =	sdelay $0x1  }
0x8a: {  	s1 =	srdreg.scid  }
0x8b: {  	s0 =	sand.u32 $0x1, s1  }
0x8c: {  	s17 =	sshll.u32 s0, $0xA;
	s2 =	sadd.s32 s3, s2  }
0x8d: {  	s2 =	sadd.s32 s2, s17  }
0x8e: {  	[smem:$0x3FC0] =	sst s2  }
0x8f: {  	_ = 	snop  }
0x90: {  	s2 =	sld [smem:$0x3FD0];
	(tm) =	ssettm $0x1  }
0x91: {  	s18 =	sld [smem:$0x3FFB];
	_ =	sdelay $0x3  }
0x92: {  	_ =	strace s18  }
0x93: {  	s3 =	sld [smem:$0x3FFC];
	_ =	sdelay $0x3  }
0x94: {  	_ =	strace s3  }
0x95: {  	s3 =	sld [smem:$0x3FFD];
	_ =	sdelay $0x3  }
0x96: {  	_ =	strace s3  }
0x97: {  	_ =	strace $0x8FFFFFFF  }
0x98: {  	s19 =	sld [smem:$0x3FDB];
	_ =	sdelay $0x1  }
0x99: {  	s4 =	simm.s32 $_scs_section_size  }
0x9a: {  	s5 =	simm.s32 $_size__tile_overlayer_lowered;
	s6 =	simm.s32 $_tile_overlayer_lowered  }
0x9b: {  	s22 =	simm.s32 $0x1BFF;
	s21 =	sshll.u32 s6, $0x1;
	s3 =	sadd.s32 s4, s19  }
0x9c: {  	s7 =	simm.s32 $0x0;
	s20 =	sshll.u32 s5, $0x1;
	s5 =	sadd.s32 s21, s3  }
0x9d: {  	[timem:s7], [sflag:s22] =	dma.local [hbm:s5], s20  }
0x9e: {  	_ =	swait.ge [sflag:s22], s20  }
0x9f: {  	s4 =	ssub.s32 $0x0, s20;
	[sflag:s22] =	ssyncset.done $0x0  }
0xa0: {  	[sflag:s22] =	ssyncadd.s32 s4;
	_ =	sdelay $0x1  }
0xa1: {  	s23 =	simm.s32 $0x1B8B  }
0xa2: {  	_ =	swait.ge [sflag:s23], $0x1  }
0xa3: {  	[sflag:s23] =	ssyncset.done $0x0  }
0xa4: {  	s25 =	simm.s32 $0x1B8E;
	s24 =	sld [smem:$0x3FFE];
	[sflag:s23] =	ssyncadd.s32 $0xFFFFFFFF  }
0xa5: {  	s26 =	simm.s32 $execute0_lowered;
	[smem:$0x3FD2] =	sst s25  }
0xa6: {  	s5 =	sshll.u32 s26, $0x1;
	_ =	strace $0x80000046;
	[dreg:$0x1] =	wrdreg $0xFFFFFFFF  }
0xa7: {  	s28 =	simm.s32 $_size_execute0_lowered;
	s3 =	sadd.s32 s3, s5;
	[dreg:$0x0] =	wrdreg $0x0  }
0xa8: {  	s5 =	sshll.u32 s28, $0x1;
	[dreg:$0x2] =	wrdreg s3  }
0xa9: {  	[dreg:$0x3] =	wrdreg s5  }
0xaa: {  	[dreg:$0x4] =	wrdreg $0xC0  }
0xab: {  	_ =	task [dreg:s7], $0x5FFFF  }
0xac: {  	[dreg:$0x1] =	wrdreg $0xFFFFFFFF  }
0xad: {  	[dreg:$0x0] =	wrdreg $0x60  }
0xae: {  	[dreg:$0x2] =	wrdreg s24  }
0xaf: {  	[dreg:$0x3] =	wrdreg s2  }
0xb0: {  	[dreg:$0x4] =	wrdreg $0x9  }
0xb1: {  	_ =	task.clear_ibuf [dreg:s7], $0x5FFFF;
	_ =	strace $0x90000046  }
0xb2: {  	s29 =	simm.s32 $0x9;
	_ =	strace $0x80000048  }
0xb3: {  	_ =	swait.ge [sflag:s29], $0x1  }
0xb4: {  	[sflag:s29] =	ssyncadd.s32 $0xFFFFFFFF  }
0xb5: {  	_ =	strace $0x90000048  }
0xb6: {  	_ =	sfence  }
0xb7: {  	s30 =	sld [smem:$0x0];
	_ =	sdelay $0x2  }
0xb8: {  	s31 =	sshll.u32 s1, $0xD;
	s1 =	sshrl.u32 s1, $0x2  }
0xb9: {  	s3 =	sand.u32 $0x4000, s31;
	s1 =	sadd.s32 s1, s30  }
0xba: {  	s0 =	sor.u32 s3, s0;
	s1 =	sshll.u32 s1, $0x11  }
0xbb: {  	s0 =	sor.u32 s1, s0  }
0xbc: {  	s0 =	sadd.s32 $0x8F2B, s0  }
0xbd: {  	[sflag:s0] =	ssyncadd.remote.s32 $0x1  }
0xbe: {  	_ =	sfence.sel $0xFFFF  }
0xbf: {  	[dreg:$0x0] =	wrdreg $0xFFFFFFFF;
	(pc) =	sbr.abs _section_cstart, $3  }
0xc0: {  	[dreg:$0x1] =	wrdreg $0xFFFFFFFF  }
0xc1: {  	_ =	task.clear_ibuf [dreg:s7], $0x2FFFF;
	_ =	strace $0x9FFFFFFF  }
0xc2: {  	(tm) =	ssettm $0x7FFFFFFF  }
0xc3: {  	_ =	shalt  }
tec
execute0_lowered:
.L_overlay_start_1:
0x0: {  	(tag) =	ssettag $0x1  }
0x1: {  	s3 =	rddreg [dreg:$0x0];
	s1 =	srdreg.scid  }
0x2: {  	s0 =	stileid.u32;
	s4 =	rddreg [dreg:$0x1];
	s2 =	simm.s32 $0x0  }
0x3: {  	s9 =	simm.s32 $0x80;
	s10 =	simm.s32 $0x1;
	s11 =	simm.s32 $0x0  }
0x4: {  	s5 =	sand.u32 $0x1, s1;
	s6 =	sshll.u32 s0, $0x1;
	s1 =	rddreg [dreg:$0x2]  }
0x5: {  	[smem:$0x7FF] =	sst s2;
	s6 =	sor.u32 s5, s6;
	s5 =	ssub.s32 $0x2, s5  }
0x6: {  	_ =	strace $0x80000047;
	s7 =	sshll.u32 s6, $0xF;
	s8 =	sshrl.u32 s5, $0x1  }
0x7: {  	s6 =	sshll.u32 s6, $0x9;
	s7 =	sadd.s32 s7, s3;
	s3 =	sadd.s32 $0x101400, s3  }
0x8: {  	s8 =	ssub.s32 s5, s8;
	s4 =	sadd.s32 s4, s6;
	s5 =	sadd.s32 $0x1400, s7  }
0x9: {  	s6 =	smax.u32 s8, $0x1;
	s7 =	simm.s32 $0x2;
	s8 =	simm.s32 $0x1000  }
.LBB2_1:
0xa: {  	[tilespmem:s2], [sflag:$0x2] =	stream.linear.gather [hbm4b:s4+s2], $0x1000, $0x38;
	[tilespmem:$0x5000] =	vst v63  }
0xb: {  	_ =	swait.ge [sflag:s7], $0x1000  }
0xc: {  	s12 =	sand.u32 $0x7800, s2;
	[sflag:s7] =	ssyncset.done $0x0  }
0xd: {  	s12 =	sadd.s32 s12, s5;
	[sflag:s7] =	ssyncadd.s32 $0xFFFFF000  }
0xe: {  	[tilespmem:s8], [sflag:$0x2] =	stream.linear.gather [hbm4b:s12+s2], $0x4000, $0x38;
	[tilespmem:$0x5000] =	vst v63  }
0xf: {  	_ =	swait.ge [sflag:s7], $0x4000  }
0x10: {  	[sflag:s7] =	ssyncset.done $0x0  }
0x11: {  	[sflag:s7] =	ssyncadd.s32 $0xFFFFC000  }
0x12: {  	[hbm4b:s3+s9] =	stream.indirect.scatter [tilespmem:s8], [sflag:$0x1], $0x80, s2, s9, $0xb8;
	[tilespmem:$0x5000] =	vst v63  }
0x13: {  	s31 =	simm.s32 $0x800;
	s13 =	simm.s32 $0x1000;
	_ =	swait.ge [sflag:s10], $0x4000  }
0x14: {  	s14 =	sand.u32 $0x7800, s31;
	s12 =	simm.s32 $0x80;
	[sflag:s10] =	ssyncset.done $0x0  }
.LBB2_2:
0x15: {  	s14 =	sadd.s32 s14, s5  }
0x16: {  	[sflag:s10] =	ssyncadd.s32 $0xFFFFC000;
	s15 =	smov.u32 s13;
	s16 =	sadd.s32 $0x800, s13  }
0x17: {  	[tilespmem:s8], [sflag:$0x2] =	stream.linear.gather [hbm4b:s14+s2], $0x4000, $0x38;
	[tilespmem:$0x5000] =	vst v63  }
0x18: {  	p0 =	sne.s32 s13, $0xF800;
	_ =	swait.ge [sflag:s7], $0x4000  }
.Ltmp0:
0x19: {  	[sflag:s7] =	ssyncset.done $0x0;
	(pc) =	sbr.rel @p0 .LBB2_2-.Ltmp0, $4  }
0x1a: {  	[sflag:s7] =	ssyncadd.s32 $0xFFFFC000  }
0x1b: {  	[hbm4b:s3+s9] =	stream.indirect.scatter [tilespmem:s8], [sflag:$0x1], $0x80, s12, s9, $0xb8;
	[tilespmem:$0x5000] =	vst v63  }
0x1c: {  	s14 =	sand.u32 $0x7800, s15;
	_ =	swait.ge [sflag:s10], $0x4000  }
0x1d: {  	s13 =	smov.u32 s16;
	s12 =	sadd.s32 $0x80, s12;
	[sflag:s10] =	ssyncset.done $0x0  }
0x1e: {  	s13 =	sadd.s32 s14, s5;
	[sflag:s10] =	ssyncadd.s32 $0xFFFFC000  }
0x1f: {  	[tilespmem:s8], [sflag:$0x2] =	stream.linear.gather [hbm4b:s13+s2], $0x4000, $0x38;
	[tilespmem:$0x5000] =	vst v63  }
0x20: {  	s11 =	sadd.s32 $0x1, s11;
	_ =	swait.ge [sflag:s7], $0x4000  }
0x21: {  	p0 =	sne.s32 s11, s6;
	[sflag:s7] =	ssyncset.done $0x0  }
.Ltmp1:
0x22: {  	[sflag:s7] =	ssyncadd.s32 $0xFFFFC000;
	(pc) =	sbr.rel @p0 .LBB2_1-.Ltmp1, $4  }
0x23: {  	[hbm4b:s3+s9] =	stream.indirect.scatter [tilespmem:s8], [sflag:$0x1], $0x80, s12, s9, $0xb8;
	[tilespmem:$0x5000] =	vst v63  }
0x24: {  	_ =	swait.ge [sflag:s10], $0x4000  }
0x25: {  	[sflag:s10] =	ssyncset.done $0x0  }
0x26: {  	[sflag:s10] =	ssyncadd.s32 $0xFFFFC000  }
0x27: {  	_ =	sfence.sel $0x180000  }
0x28: {  	[bflag:$0x0] =	sbarrier.arrive $0xFFFF  }
0x29: {  	p0 =	sne.s32 s0, $0x0;
	_ =	strace $0x90000047  }
0x2a: {  	s0 =	sadd.s32 @!p0 $0x100000, s1;
	[bflag:$0x2] =	sbarrier.arrive $0xFFFF  }
0x2b: {  	[sflag:s0] =	ssyncadd.tile.s32 @!p0 $0x1;
	_ =	shalt  }
.Lfunc_end2:
_tile_overlayer_lowered:
.L_overlay_start_2:
0x2c: {  	(tag) =	ssettag $0x2  }
0x2d: {  	s0 =	rddreg [dreg:$0x0];
	s2 =	stileid.u32  }
0x2e: {  	s1 =	rddreg [dreg:$0x1];
	p0 =	sne.s32 s2, $0x0  }
0x2f: {  	s3 =	rddreg [dreg:$0x2];
	[bflag:$0x3] =	sbarrier.arrive $0xFFFF;
	s2 =	simm.s32 @!p0 $0x1C02  }
0x30: {  	[timem:s3], [sflag:s2] =	dma.local @!p0 [hbm:s0], s1  }
0x31: {  	s0 =	simm.s32 @!p0 $0x2  }
0x32: {  	_ =	swait.ge @!p0 [sflag:s0], s1  }
0x33: {  	s1 =	ssub.s32 @!p0 $0x0, s1;
	[sflag:s0] =	ssyncset.done @!p0 $0x0  }
0x34: {  	[sflag:s0] =	ssyncadd.s32 @!p0 s1  }
0x35: {  	[bflag:$0x3] =	sbarrier.arrive $0xFFFF  }
0x36: {  	_ =	shalt  }

</sc_bundles>
